<compile_context>
chip_gen: v7x
topology: tpu7x:2x2x1
jax: 0.10.2.dev20260603
libtpu: 0.0.44.dev20260713+nightly
codegen_flags: <defaults>
</compile_context>

<pallas_src>
import functools

import jax
import jax.numpy as jnp
from jax import lax
from jax.experimental import pallas as pl
from jax.experimental.pallas import tpu as pltpu
from jax.experimental.pallas import tpu_sc as plsc

NUM_FIELDS = 26
VOCAB = 100000
EMBED_DIM = 32
BATCH = 16384

_INFO = plsc.get_sparse_core_info()
_NC, _NS = _INFO.num_cores, _INFO.num_subcores
_NW = _NC * _NS
_N = BATCH * NUM_FIELDS
_PER_W = _N // _NW
_IW = 128
_ROWS_PER_W = _PER_W // _IW
_GRP = 13
_STEPS = _ROWS_PER_W // _GRP
_CHUNK = _GRP * _IW


def _make_gather():
    mesh = plsc.VectorSubcoreMesh(core_axis_name="c", subcore_axis_name="s")

    @functools.partial(
        pl.kernel,
        mesh=mesh,
        out_type=jax.ShapeDtypeStruct((_N, EMBED_DIM), jnp.float32),
        scratch_types=[
            pltpu.VMEM((_ROWS_PER_W, _IW), jnp.int32),
            pltpu.VMEM((_CHUNK, EMBED_DIM), jnp.float32),
            pltpu.VMEM((_CHUNK, EMBED_DIM), jnp.float32),
            pltpu.SemaphoreType.DMA,
            pltpu.SemaphoreType.DMA,
            pltpu.SemaphoreType.DMA,
            pltpu.SemaphoreType.DMA,
        ],
        compiler_params=pltpu.CompilerParams(use_tc_tiling_on_sc=False),
    )
    def gather_kernel(tab_hbm, idx_hbm, out_hbm, idx_v, rows0, rows1,
                      sg0, sg1, sw0, sw1):
        wid = lax.axis_index("s") * _NC + lax.axis_index("c")
        pltpu.sync_copy(idx_hbm.at[pl.ds(wid * _ROWS_PER_W, _ROWS_PER_W)], idx_v)
        out_base = wid * _PER_W

        def fire(c, buf, sem):
            for j in range(_GRP):
                pltpu.async_copy(
                    tab_hbm.at[idx_v.at[c * _GRP + j]],
                    buf.at[pl.ds(j * _IW, _IW)],
                    sem,
                )

        def drain(buf, sem):
            pltpu.make_async_copy(out_hbm.at[pl.ds(0, _CHUNK)], buf, sem).wait()

        def write(c, buf, sem):
            pltpu.async_copy(
                buf, out_hbm.at[pl.ds(out_base + c * _CHUNK, _CHUNK)], sem
            )

        fire(0, rows0, sg0)

        def pair(k, _):
            c0 = 2 * k

            @pl.when(k >= 1)
            def _():
                drain(rows1, sw1)
            fire(c0 + 1, rows1, sg1)
            drain(rows0, sg0)
            write(c0, rows0, sw0)

            @pl.when(c0 + 2 < _STEPS)
            def _():
                drain(rows0, sw0)
                fire(c0 + 2, rows0, sg0)
            drain(rows1, sg1)
            write(c0 + 1, rows1, sw1)
            return ()

        lax.fori_loop(0, _STEPS // 2, pair, (), unroll=False)
        drain(rows0, sw0)
        drain(rows1, sw1)

    return gather_kernel


_gather = _make_gather()


def kernel(x, tables):
    tab_flat = tables.reshape(NUM_FIELDS * VOCAB, EMBED_DIM)
    offs = (jnp.arange(NUM_FIELDS, dtype=jnp.int32) * VOCAB)[None, :]
    idx = (x.astype(jnp.int32) + offs).reshape(_N // _IW, _IW)
    out = _gather(tab_flat, idx)
    return out.reshape(BATCH, NUM_FIELDS * EMBED_DIM)

# --- scband reference (transcript-rebuilt; emitter-appended) ---
"""Pipeline reference for scband-embedding-layer-39333310497243 (READ-ONLY COPY).

The authoritative reference and input builder live on the scoring server;
editing this copy changes nothing except your own understanding.
"""

import jax, jax.numpy as jnp
import numpy as np

NUM_FIELDS = 26
VOCAB = 100000
EMBED_DIM = 32
BATCH = 16384


def setup_inputs(seed: int = 0) -> dict:
    key = jax.random.key(seed)
    k_idx, k_tab = jax.random.split(key)
    x = jax.random.randint(k_idx, (BATCH, NUM_FIELDS), 0, VOCAB, dtype=jnp.int64 if jax.config.jax_enable_x64 else jnp.int32)
    # All 26 tables have identical shape [VOCAB, EMBED_DIM]; stack them.
    tables = jax.random.normal(k_tab, (NUM_FIELDS, VOCAB, EMBED_DIM), dtype=jnp.float32)
    return {"x": x, "tables": tables}


def reference(x, tables):
    # Faithful translation of Embedding_Layer.forward:
    # per-field embedding lookup, then concat along last dim.
    emb_list = []
    for i in range(x.shape[-1]):
        emb_list.append(jnp.take(tables[i], x[:, i], axis=0))
    return jnp.concatenate(emb_list, axis=-1)

if __name__ == "__main__":
    import jax
    _d = setup_inputs()
    print(jax.jit(kernel)(*tuple(_d.values())))

</pallas_src>

<mosaic_0001>
#map = affine_map<(d0, d1) -> (0, 0)>
module attributes {stable_mosaic.version = 14 : i64} {
  func.func @gather_kernel(%arg0: i32, %arg1: i32, %arg2: memref<2600000x32xf32, #tpu.memory_space<hbm>>, %arg3: memref<3328x128xi32, #tpu.memory_space<hbm>>, %arg4: memref<425984x32xf32, #tpu.memory_space<hbm>>, %arg5: memref<104x128xi32, #tpu.memory_space<vmem>>, %arg6: memref<1664x32xf32, #tpu.memory_space<vmem>>, %arg7: memref<1664x32xf32, #tpu.memory_space<vmem>>, %arg8: memref<!tpu.dma_semaphore, #tpu.memory_space<semaphore_mem>>, %arg9: memref<!tpu.dma_semaphore, #tpu.memory_space<semaphore_mem>>, %arg10: memref<!tpu.dma_semaphore, #tpu.memory_space<semaphore_mem>>, %arg11: memref<!tpu.dma_semaphore, #tpu.memory_space<semaphore_mem>>) attributes {dimension_semantics = [#tpu.dimension_semantics<core_parallel>, #tpu.dimension_semantics<subcore_parallel>], iteration_bounds = array<i64: 2, 16>, scalar_prefetch = 0 : i64, scratch_operands = 7 : i64, tpu.core_type = #tpu.core_type<sc_vector_subcore>, window_params = [{transform_indices = #map}, {transform_indices = #map}, {transform_indices = #map}]} {
    %mul3A = arith.constant 2 : i32
    %mul3A_0 = arith.muli %arg1, %mul3A : i32
    %add3A = arith.addi %mul3A_0, %arg0 : i32
    %mul3A_1 = arith.constant 104 : i32
    %mul3A_2 = arith.muli %add3A, %mul3A_1 : i32
    "tpu.region"() ({
      %run_scoped3A = tpu.sem_alloc : memref<!tpu.dma_semaphore, #tpu.memory_space<semaphore_mem>>
      %dma_start3A_149 = arith.constant 0 : i32
      %dma_start3A_150 = tpu.memref_slice %arg3[%mul3A_2, %dma_start3A_149] : memref<3328x128xi32, #tpu.memory_space<hbm>> -> memref<104x128xi32, #tpu.memory_space<hbm>>
      %dma_start3A_151 = arith.constant 0 : i32
      %dma_start3A_152 = tpu.memref_slice %arg3[%mul3A_2, %dma_start3A_151] : memref<3328x128xi32, #tpu.memory_space<hbm>> -> memref<104x128xi32, #tpu.memory_space<hbm>>
      tpu.enqueue_dma source(%dma_start3A_152 : memref<104x128xi32, #tpu.memory_space<hbm>>) target(%arg5 : memref<104x128xi32, #tpu.memory_space<vmem>>) target_semaphore(%run_scoped3A : memref<!tpu.dma_semaphore, #tpu.memory_space<semaphore_mem>>)
      %dma_wait3A_153 = arith.constant 0 : i32
      %dma_wait3A_154 = tpu.memref_slice %arg3[%mul3A_2, %dma_wait3A_153] : memref<3328x128xi32, #tpu.memory_space<hbm>> -> memref<104x128xi32, #tpu.memory_space<hbm>>
      %dma_wait3A_155 = arith.constant 0 : i32
      %dma_wait3A_156 = tpu.memref_slice %arg3[%mul3A_2, %dma_wait3A_155] : memref<3328x128xi32, #tpu.memory_space<hbm>> -> memref<104x128xi32, #tpu.memory_space<hbm>>
      tpu.wait_dma2 semaphore(%run_scoped3A : memref<!tpu.dma_semaphore, #tpu.memory_space<semaphore_mem>>) src(%dma_wait3A_156 : memref<104x128xi32, #tpu.memory_space<hbm>>) dst(%arg5 : memref<104x128xi32, #tpu.memory_space<vmem>>)
      tpu.yield
    }) : () -> ()
    %mul3A_3 = arith.constant 13312 : i32
    %mul3A_4 = arith.muli %add3A, %mul3A_3 : i32
    %dma_start3A = arith.constant 0 : i32
    %dma_start3A_5 = arith.constant 0 : i32
    %dma_start3A_6 = arith.constant 0 : i32
    %dma_start3A_7 = tpu.memref_slice %arg6[%dma_start3A_5, %dma_start3A_6] : memref<1664x32xf32, #tpu.memory_space<vmem>> -> memref<128x32xf32, #tpu.memory_space<vmem>>
    %dma_start3A_8 = arith.constant 0 : i32
    %dma_start3A_9 = tpu.memref_slice %arg5[%dma_start3A, %dma_start3A_8] : memref<104x128xi32, #tpu.memory_space<vmem>> -> memref<1x128xi32, #tpu.memory_space<vmem>>
    %dma_start3A_10 = tpu.memref_squeeze %dma_start3A_9 : memref<1x128xi32, #tpu.memory_space<vmem>> -> memref<128xi32, #tpu.memory_space<vmem>>
    %dma_start3A_11 = arith.constant 0 : i32
    %dma_start3A_12 = arith.constant 0 : i32
    %dma_start3A_13 = tpu.memref_slice %arg2[%dma_start3A_11, %dma_start3A_12] : memref<2600000x32xf32, #tpu.memory_space<hbm>> -> memref<2600000x32xf32, #tpu.memory_space<hbm>>
    tpu.enqueue_indirect_dma source(%dma_start3A_13 : memref<2600000x32xf32, #tpu.memory_space<hbm>>) target(%dma_start3A_7 : memref<128x32xf32, #tpu.memory_space<vmem>>) offsets(%dma_start3A_10 : memref<128xi32, #tpu.memory_space<vmem>>) semaphore(%arg8 : memref<!tpu.dma_semaphore, #tpu.memory_space<semaphore_mem>>)
    %dma_start3A_14 = arith.constant 1 : i32
    %dma_start3A_15 = arith.constant 128 : i32
    %dma_start3A_16 = arith.constant 0 : i32
    %dma_start3A_17 = tpu.memref_slice %arg6[%dma_start3A_15, %dma_start3A_16] : memref<1664x32xf32, #tpu.memory_space<vmem>> -> memref<128x32xf32, #tpu.memory_space<vmem>>
    %dma_start3A_18 = arith.constant 0 : i32
    %dma_start3A_19 = tpu.memref_slice %arg5[%dma_start3A_14, %dma_start3A_18] : memref<104x128xi32, #tpu.memory_space<vmem>> -> memref<1x128xi32, #tpu.memory_space<vmem>>
    %dma_start3A_20 = tpu.memref_squeeze %dma_start3A_19 : memref<1x128xi32, #tpu.memory_space<vmem>> -> memref<128xi32, #tpu.memory_space<vmem>>
    %dma_start3A_21 = arith.constant 0 : i32
    %dma_start3A_22 = arith.constant 0 : i32
    %dma_start3A_23 = tpu.memref_slice %arg2[%dma_start3A_21, %dma_start3A_22] : memref<2600000x32xf32, #tpu.memory_space<hbm>> -> memref<2600000x32xf32, #tpu.memory_space<hbm>>
    tpu.enqueue_indirect_dma source(%dma_start3A_23 : memref<2600000x32xf32, #tpu.memory_space<hbm>>) target(%dma_start3A_17 : memref<128x32xf32, #tpu.memory_space<vmem>>) offsets(%dma_start3A_20 : memref<128xi32, #tpu.memory_space<vmem>>) semaphore(%arg8 : memref<!tpu.dma_semaphore, #tpu.memory_space<semaphore_mem>>)
    %dma_start3A_24 = arith.constant 2 : i32
    %dma_start3A_25 = arith.constant 256 : i32
    %dma_start3A_26 = arith.constant 0 : i32
    %dma_start3A_27 = tpu.memref_slice %arg6[%dma_start3A_25, %dma_start3A_26] : memref<1664x32xf32, #tpu.memory_space<vmem>> -> memref<128x32xf32, #tpu.memory_space<vmem>>
    %dma_start3A_28 = arith.constant 0 : i32
    %dma_start3A_29 = tpu.memref_slice %arg5[%dma_start3A_24, %dma_start3A_28] : memref<104x128xi32, #tpu.memory_space<vmem>> -> memref<1x128xi32, #tpu.memory_space<vmem>>
    %dma_start3A_30 = tpu.memref_squeeze %dma_start3A_29 : memref<1x128xi32, #tpu.memory_space<vmem>> -> memref<128xi32, #tpu.memory_space<vmem>>
    %dma_start3A_31 = arith.constant 0 : i32
    %dma_start3A_32 = arith.constant 0 : i32
    %dma_start3A_33 = tpu.memref_slice %arg2[%dma_start3A_31, %dma_start3A_32] : memref<2600000x32xf32, #tpu.memory_space<hbm>> -> memref<2600000x32xf32, #tpu.memory_space<hbm>>
    tpu.enqueue_indirect_dma source(%dma_start3A_33 : memref<2600000x32xf32, #tpu.memory_space<hbm>>) target(%dma_start3A_27 : memref<128x32xf32, #tpu.memory_space<vmem>>) offsets(%dma_start3A_30 : memref<128xi32, #tpu.memory_space<vmem>>) semaphore(%arg8 : memref<!tpu.dma_semaphore, #tpu.memory_space<semaphore_mem>>)
    %dma_start3A_34 = arith.constant 3 : i32
    %dma_start3A_35 = arith.constant 384 : i32
    %dma_start3A_36 = arith.constant 0 : i32
    %dma_start3A_37 = tpu.memref_slice %arg6[%dma_start3A_35, %dma_start3A_36] : memref<1664x32xf32, #tpu.memory_space<vmem>> -> memref<128x32xf32, #tpu.memory_space<vmem>>
    %dma_start3A_38 = arith.constant 0 : i32
    %dma_start3A_39 = tpu.memref_slice %arg5[%dma_start3A_34, %dma_start3A_38] : memref<104x128xi32, #tpu.memory_space<vmem>> -> memref<1x128xi32, #tpu.memory_space<vmem>>
    %dma_start3A_40 = tpu.memref_squeeze %dma_start3A_39 : memref<1x128xi32, #tpu.memory_space<vmem>> -> memref<128xi32, #tpu.memory_space<vmem>>
    %dma_start3A_41 = arith.constant 0 : i32
    %dma_start3A_42 = arith.constant 0 : i32
    %dma_start3A_43 = tpu.memref_slice %arg2[%dma_start3A_41, %dma_start3A_42] : memref<2600000x32xf32, #tpu.memory_space<hbm>> -> memref<2600000x32xf32, #tpu.memory_space<hbm>>
    tpu.enqueue_indirect_dma source(%dma_start3A_43 : memref<2600000x32xf32, #tpu.memory_space<hbm>>) target(%dma_start3A_37 : memref<128x32xf32, #tpu.memory_space<vmem>>) offsets(%dma_start3A_40 : memref<128xi32, #tpu.memory_space<vmem>>) semaphore(%arg8 : memref<!tpu.dma_semaphore, #tpu.memory_space<semaphore_mem>>)
    %dma_start3A_44 = arith.constant 4 : i32
    %dma_start3A_45 = arith.constant 512 : i32
    %dma_start3A_46 = arith.constant 0 : i32
    %dma_start3A_47 = tpu.memref_slice %arg6[%dma_start3A_45, %dma_start3A_46] : memref<1664x32xf32, #tpu.memory_space<vmem>> -> memref<128x32xf32, #tpu.memory_space<vmem>>
    %dma_start3A_48 = arith.constant 0 : i32
    %dma_start3A_49 = tpu.memref_slice %arg5[%dma_start3A_44, %dma_start3A_48] : memref<104x128xi32, #tpu.memory_space<vmem>> -> memref<1x128xi32, #tpu.memory_space<vmem>>
    %dma_start3A_50 = tpu.memref_squeeze %dma_start3A_49 : memref<1x128xi32, #tpu.memory_space<vmem>> -> memref<128xi32, #tpu.memory_space<vmem>>
    %dma_start3A_51 = arith.constant 0 : i32
    %dma_start3A_52 = arith.constant 0 : i32
    %dma_start3A_53 = tpu.memref_slice %arg2[%dma_start3A_51, %dma_start3A_52] : memref<2600000x32xf32, #tpu.memory_space<hbm>> -> memref<2600000x32xf32, #tpu.memory_space<hbm>>
    tpu.enqueue_indirect_dma source(%dma_start3A_53 : memref<2600000x32xf32, #tpu.memory_space<hbm>>) target(%dma_start3A_47 : memref<128x32xf32, #tpu.memory_space<vmem>>) offsets(%dma_start3A_50 : memref<128xi32, #tpu.memory_space<vmem>>) semaphore(%arg8 : memref<!tpu.dma_semaphore, #tpu.memory_space<semaphore_mem>>)
    %dma_start3A_54 = arith.constant 5 : i32
    %dma_start3A_55 = arith.constant 640 : i32
    %dma_start3A_56 = arith.constant 0 : i32
    %dma_start3A_57 = tpu.memref_slice %arg6[%dma_start3A_55, %dma_start3A_56] : memref<1664x32xf32, #tpu.memory_space<vmem>> -> memref<128x32xf32, #tpu.memory_space<vmem>>
    %dma_start3A_58 = arith.constant 0 : i32
    %dma_start3A_59 = tpu.memref_slice %arg5[%dma_start3A_54, %dma_start3A_58] : memref<104x128xi32, #tpu.memory_space<vmem>> -> memref<1x128xi32, #tpu.memory_space<vmem>>
    %dma_start3A_60 = tpu.memref_squeeze %dma_start3A_59 : memref<1x128xi32, #tpu.memory_space<vmem>> -> memref<128xi32, #tpu.memory_space<vmem>>
    %dma_start3A_61 = arith.constant 0 : i32
    %dma_start3A_62 = arith.constant 0 : i32
    %dma_start3A_63 = tpu.memref_slice %arg2[%dma_start3A_61, %dma_start3A_62] : memref<2600000x32xf32, #tpu.memory_space<hbm>> -> memref<2600000x32xf32, #tpu.memory_space<hbm>>
    tpu.enqueue_indirect_dma source(%dma_start3A_63 : memref<2600000x32xf32, #tpu.memory_space<hbm>>) target(%dma_start3A_57 : memref<128x32xf32, #tpu.memory_space<vmem>>) offsets(%dma_start3A_60 : memref<128xi32, #tpu.memory_space<vmem>>) semaphore(%arg8 : memref<!tpu.dma_semaphore, #tpu.memory_space<semaphore_mem>>)
    %dma_start3A_64 = arith.constant 6 : i32
    %dma_start3A_65 = arith.constant 768 : i32
    %dma_start3A_66 = arith.constant 0 : i32
    %dma_start3A_67 = tpu.memref_slice %arg6[%dma_start3A_65, %dma_start3A_66] : memref<1664x32xf32, #tpu.memory_space<vmem>> -> memref<128x32xf32, #tpu.memory_space<vmem>>
    %dma_start3A_68 = arith.constant 0 : i32
    %dma_start3A_69 = tpu.memref_slice %arg5[%dma_start3A_64, %dma_start3A_68] : memref<104x128xi32, #tpu.memory_space<vmem>> -> memref<1x128xi32, #tpu.memory_space<vmem>>
    %dma_start3A_70 = tpu.memref_squeeze %dma_start3A_69 : memref<1x128xi32, #tpu.memory_space<vmem>> -> memref<128xi32, #tpu.memory_space<vmem>>
    %dma_start3A_71 = arith.constant 0 : i32
    %dma_start3A_72 = arith.constant 0 : i32
    %dma_start3A_73 = tpu.memref_slice %arg2[%dma_start3A_71, %dma_start3A_72] : memref<2600000x32xf32, #tpu.memory_space<hbm>> -> memref<2600000x32xf32, #tpu.memory_space<hbm>>
    tpu.enqueue_indirect_dma source(%dma_start3A_73 : memref<2600000x32xf32, #tpu.memory_space<hbm>>) target(%dma_start3A_67 : memref<128x32xf32, #tpu.memory_space<vmem>>) offsets(%dma_start3A_70 : memref<128xi32, #tpu.memory_space<vmem>>) semaphore(%arg8 : memref<!tpu.dma_semaphore, #tpu.memory_space<semaphore_mem>>)
    %dma_start3A_74 = arith.constant 7 : i32
    %dma_start3A_75 = arith.constant 896 : i32
    %dma_start3A_76 = arith.constant 0 : i32
    %dma_start3A_77 = tpu.memref_slice %arg6[%dma_start3A_75, %dma_start3A_76] : memref<1664x32xf32, #tpu.memory_space<vmem>> -> memref<128x32xf32, #tpu.memory_space<vmem>>
    %dma_start3A_78 = arith.constant 0 : i32
    %dma_start3A_79 = tpu.memref_slice %arg5[%dma_start3A_74, %dma_start3A_78] : memref<104x128xi32, #tpu.memory_space<vmem>> -> memref<1x128xi32, #tpu.memory_space<vmem>>
    %dma_start3A_80 = tpu.memref_squeeze %dma_start3A_79 : memref<1x128xi32, #tpu.memory_space<vmem>> -> memref<128xi32, #tpu.memory_space<vmem>>
    %dma_start3A_81 = arith.constant 0 : i32
    %dma_start3A_82 = arith.constant 0 : i32
    %dma_start3A_83 = tpu.memref_slice %arg2[%dma_start3A_81, %dma_start3A_82] : memref<2600000x32xf32, #tpu.memory_space<hbm>> -> memref<2600000x32xf32, #tpu.memory_space<hbm>>
    tpu.enqueue_indirect_dma source(%dma_start3A_83 : memref<2600000x32xf32, #tpu.memory_space<hbm>>) target(%dma_start3A_77 : memref<128x32xf32, #tpu.memory_space<vmem>>) offsets(%dma_start3A_80 : memref<128xi32, #tpu.memory_space<vmem>>) semaphore(%arg8 : memref<!tpu.dma_semaphore, #tpu.memory_space<semaphore_mem>>)
    %dma_start3A_84 = arith.constant 8 : i32
    %dma_start3A_85 = arith.constant 1024 : i32
    %dma_start3A_86 = arith.constant 0 : i32
    %dma_start3A_87 = tpu.memref_slice %arg6[%dma_start3A_85, %dma_start3A_86] : memref<1664x32xf32, #tpu.memory_space<vmem>> -> memref<128x32xf32, #tpu.memory_space<vmem>>
    %dma_start3A_88 = arith.constant 0 : i32
    %dma_start3A_89 = tpu.memref_slice %arg5[%dma_start3A_84, %dma_start3A_88] : memref<104x128xi32, #tpu.memory_space<vmem>> -> memref<1x128xi32, #tpu.memory_space<vmem>>
    %dma_start3A_90 = tpu.memref_squeeze %dma_start3A_89 : memref<1x128xi32, #tpu.memory_space<vmem>> -> memref<128xi32, #tpu.memory_space<vmem>>
    %dma_start3A_91 = arith.constant 0 : i32
    %dma_start3A_92 = arith.constant 0 : i32
    %dma_start3A_93 = tpu.memref_slice %arg2[%dma_start3A_91, %dma_start3A_92] : memref<2600000x32xf32, #tpu.memory_space<hbm>> -> memref<2600000x32xf32, #tpu.memory_space<hbm>>
    tpu.enqueue_indirect_dma source(%dma_start3A_93 : memref<2600000x32xf32, #tpu.memory_space<hbm>>) target(%dma_start3A_87 : memref<128x32xf32, #tpu.memory_space<vmem>>) offsets(%dma_start3A_90 : memref<128xi32, #tpu.memory_space<vmem>>) semaphore(%arg8 : memref<!tpu.dma_semaphore, #tpu.memory_space<semaphore_mem>>)
    %dma_start3A_94 = arith.constant 9 : i32
    %dma_start3A_95 = arith.constant 1152 : i32
    %dma_start3A_96 = arith.constant 0 : i32
    %dma_start3A_97 = tpu.memref_slice %arg6[%dma_start3A_95, %dma_start3A_96] : memref<1664x32xf32, #tpu.memory_space<vmem>> -> memref<128x32xf32, #tpu.memory_space<vmem>>
    %dma_start3A_98 = arith.constant 0 : i32
    %dma_start3A_99 = tpu.memref_slice %arg5[%dma_start3A_94, %dma_start3A_98] : memref<104x128xi32, #tpu.memory_space<vmem>> -> memref<1x128xi32, #tpu.memory_space<vmem>>
    %dma_start3A_100 = tpu.memref_squeeze %dma_start3A_99 : memref<1x128xi32, #tpu.memory_space<vmem>> -> memref<128xi32, #tpu.memory_space<vmem>>
    %dma_start3A_101 = arith.constant 0 : i32
    %dma_start3A_102 = arith.constant 0 : i32
    %dma_start3A_103 = tpu.memref_slice %arg2[%dma_start3A_101, %dma_start3A_102] : memref<2600000x32xf32, #tpu.memory_space<hbm>> -> memref<2600000x32xf32, #tpu.memory_space<hbm>>
    tpu.enqueue_indirect_dma source(%dma_start3A_103 : memref<2600000x32xf32, #tpu.memory_space<hbm>>) target(%dma_start3A_97 : memref<128x32xf32, #tpu.memory_space<vmem>>) offsets(%dma_start3A_100 : memref<128xi32, #tpu.memory_space<vmem>>) semaphore(%arg8 : memref<!tpu.dma_semaphore, #tpu.memory_space<semaphore_mem>>)
    %dma_start3A_104 = arith.constant 10 : i32
    %dma_start3A_105 = arith.constant 1280 : i32
    %dma_start3A_106 = arith.constant 0 : i32
    %dma_start3A_107 = tpu.memref_slice %arg6[%dma_start3A_105, %dma_start3A_106] : memref<1664x32xf32, #tpu.memory_space<vmem>> -> memref<128x32xf32, #tpu.memory_space<vmem>>
    %dma_start3A_108 = arith.constant 0 : i32
    %dma_start3A_109 = tpu.memref_slice %arg5[%dma_start3A_104, %dma_start3A_108] : memref<104x128xi32, #tpu.memory_space<vmem>> -> memref<1x128xi32, #tpu.memory_space<vmem>>
    %dma_start3A_110 = tpu.memref_squeeze %dma_start3A_109 : memref<1x128xi32, #tpu.memory_space<vmem>> -> memref<128xi32, #tpu.memory_space<vmem>>
    %dma_start3A_111 = arith.constant 0 : i32
    %dma_start3A_112 = arith.constant 0 : i32
    %dma_start3A_113 = tpu.memref_slice %arg2[%dma_start3A_111, %dma_start3A_112] : memref<2600000x32xf32, #tpu.memory_space<hbm>> -> memref<2600000x32xf32, #tpu.memory_space<hbm>>
    tpu.enqueue_indirect_dma source(%dma_start3A_113 : memref<2600000x32xf32, #tpu.memory_space<hbm>>) target(%dma_start3A_107 : memref<128x32xf32, #tpu.memory_space<vmem>>) offsets(%dma_start3A_110 : memref<128xi32, #tpu.memory_space<vmem>>) semaphore(%arg8 : memref<!tpu.dma_semaphore, #tpu.memory_space<semaphore_mem>>)
    %dma_start3A_114 = arith.constant 11 : i32
    %dma_start3A_115 = arith.constant 1408 : i32
    %dma_start3A_116 = arith.constant 0 : i32
    %dma_start3A_117 = tpu.memref_slice %arg6[%dma_start3A_115, %dma_start3A_116] : memref<1664x32xf32, #tpu.memory_space<vmem>> -> memref<128x32xf32, #tpu.memory_space<vmem>>
    %dma_start3A_118 = arith.constant 0 : i32
    %dma_start3A_119 = tpu.memref_slice %arg5[%dma_start3A_114, %dma_start3A_118] : memref<104x128xi32, #tpu.memory_space<vmem>> -> memref<1x128xi32, #tpu.memory_space<vmem>>
    %dma_start3A_120 = tpu.memref_squeeze %dma_start3A_119 : memref<1x128xi32, #tpu.memory_space<vmem>> -> memref<128xi32, #tpu.memory_space<vmem>>
    %dma_start3A_121 = arith.constant 0 : i32
    %dma_start3A_122 = arith.constant 0 : i32
    %dma_start3A_123 = tpu.memref_slice %arg2[%dma_start3A_121, %dma_start3A_122] : memref<2600000x32xf32, #tpu.memory_space<hbm>> -> memref<2600000x32xf32, #tpu.memory_space<hbm>>
    tpu.enqueue_indirect_dma source(%dma_start3A_123 : memref<2600000x32xf32, #tpu.memory_space<hbm>>) target(%dma_start3A_117 : memref<128x32xf32, #tpu.memory_space<vmem>>) offsets(%dma_start3A_120 : memref<128xi32, #tpu.memory_space<vmem>>) semaphore(%arg8 : memref<!tpu.dma_semaphore, #tpu.memory_space<semaphore_mem>>)
    %dma_start3A_124 = arith.constant 12 : i32
    %dma_start3A_125 = arith.constant 1536 : i32
    %dma_start3A_126 = arith.constant 0 : i32
    %dma_start3A_127 = tpu.memref_slice %arg6[%dma_start3A_125, %dma_start3A_126] : memref<1664x32xf32, #tpu.memory_space<vmem>> -> memref<128x32xf32, #tpu.memory_space<vmem>>
    %dma_start3A_128 = arith.constant 0 : i32
    %dma_start3A_129 = tpu.memref_slice %arg5[%dma_start3A_124, %dma_start3A_128] : memref<104x128xi32, #tpu.memory_space<vmem>> -> memref<1x128xi32, #tpu.memory_space<vmem>>
    %dma_start3A_130 = tpu.memref_squeeze %dma_start3A_129 : memref<1x128xi32, #tpu.memory_space<vmem>> -> memref<128xi32, #tpu.memory_space<vmem>>
    %dma_start3A_131 = arith.constant 0 : i32
    %dma_start3A_132 = arith.constant 0 : i32
    %dma_start3A_133 = tpu.memref_slice %arg2[%dma_start3A_131, %dma_start3A_132] : memref<2600000x32xf32, #tpu.memory_space<hbm>> -> memref<2600000x32xf32, #tpu.memory_space<hbm>>
    tpu.enqueue_indirect_dma source(%dma_start3A_133 : memref<2600000x32xf32, #tpu.memory_space<hbm>>) target(%dma_start3A_127 : memref<128x32xf32, #tpu.memory_space<vmem>>) offsets(%dma_start3A_130 : memref<128xi32, #tpu.memory_space<vmem>>) semaphore(%arg8 : memref<!tpu.dma_semaphore, #tpu.memory_space<semaphore_mem>>)
    %scan3A = arith.constant 0 : i32
    %scan3A_134 = arith.constant 4 : i32
    %scan3A_135 = arith.addi %scan3A, %scan3A_134 : i32
    %scan3A_136 = arith.constant 1 : i32
    scf.for %scan3A_149 = %scan3A to %scan3A_135 step %scan3A_136  : i32 {
      %mul3A_150 = arith.constant 2 : i32
      %mul3A_151 = arith.muli %mul3A_150, %scan3A_149 : i32
      %ge3A = arith.constant 1 : i32
      %ge3A_152 = arith.cmpi sge, %scan3A_149, %ge3A : i32
      %convert_element_type3A = arith.extui %ge3A_152 : i1 to i32
      %cond3A = arith.constant 0 : i32
      %cond3A_153 = arith.cmpi ne, %convert_element_type3A, %cond3A : i32
      scf.if %cond3A_153 {
        %dma_wait3A_359 = arith.constant 0 : i32
        %dma_wait3A_360 = arith.constant 0 : i32
        %dma_wait3A_361 = tpu.memref_slice %arg4[%dma_wait3A_359, %dma_wait3A_360] : memref<425984x32xf32, #tpu.memory_space<hbm>> -> memref<1664x32xf32, #tpu.memory_space<hbm>>
        %dma_wait3A_362 = arith.constant 0 : i32
        %dma_wait3A_363 = arith.constant 0 : i32
        %dma_wait3A_364 = tpu.memref_slice %arg4[%dma_wait3A_362, %dma_wait3A_363] : memref<425984x32xf32, #tpu.memory_space<hbm>> -> memref<1664x32xf32, #tpu.memory_space<hbm>>
        tpu.wait_dma2 semaphore(%arg11 : memref<!tpu.dma_semaphore, #tpu.memory_space<semaphore_mem>>) src(%dma_wait3A_364 : memref<1664x32xf32, #tpu.memory_space<hbm>>) dst(%arg7 : memref<1664x32xf32, #tpu.memory_space<vmem>>)
      } else {
      }
      %add3A_154 = arith.constant 1 : i32
      %add3A_155 = arith.addi %mul3A_151, %add3A_154 : i32
      %mul3A_156 = arith.constant 13 : i32
      %mul3A_157 = arith.muli %add3A_155, %mul3A_156 : i32
      %add3A_158 = arith.constant 0 : i32
      %add3A_159 = arith.addi %mul3A_157, %add3A_158 : i32
      %dma_start3A_160 = arith.constant 0 : i32
      %dma_start3A_161 = arith.constant 0 : i32
      %dma_start3A_162 = tpu.memref_slice %arg7[%dma_start3A_160, %dma_start3A_161] : memref<1664x32xf32, #tpu.memory_space<vmem>> -> memref<128x32xf32, #tpu.memory_space<vmem>>
      %dma_start3A_163 = arith.constant 0 : i32
      %dma_start3A_164 = tpu.memref_slice %arg5[%add3A_159, %dma_start3A_163] : memref<104x128xi32, #tpu.memory_space<vmem>> -> memref<1x128xi32, #tpu.memory_space<vmem>>
      %dma_start3A_165 = tpu.memref_squeeze %dma_start3A_164 : memref<1x128xi32, #tpu.memory_space<vmem>> -> memref<128xi32, #tpu.memory_space<vmem>>
      %dma_start3A_166 = arith.constant 0 : i32
      %dma_start3A_167 = arith.constant 0 : i32
      %dma_start3A_168 = tpu.memref_slice %arg2[%dma_start3A_166, %dma_start3A_167] : memref<2600000x32xf32, #tpu.memory_space<hbm>> -> memref<2600000x32xf32, #tpu.memory_space<hbm>>
      tpu.enqueue_indirect_dma source(%dma_start3A_168 : memref<2600000x32xf32, #tpu.memory_space<hbm>>) target(%dma_start3A_162 : memref<128x32xf32, #tpu.memory_space<vmem>>) offsets(%dma_start3A_165 : memref<128xi32, #tpu.memory_space<vmem>>) semaphore(%arg9 : memref<!tpu.dma_semaphore, #tpu.memory_space<semaphore_mem>>)
      %mul3A_169 = arith.constant 13 : i32
      %mul3A_170 = arith.muli %add3A_155, %mul3A_169 : i32
      %add3A_171 = arith.constant 1 : i32
      %add3A_172 = arith.addi %mul3A_170, %add3A_171 : i32
      %dma_start3A_173 = arith.constant 128 : i32
      %dma_start3A_174 = arith.constant 0 : i32
      %dma_start3A_175 = tpu.memref_slice %arg7[%dma_start3A_173, %dma_start3A_174] : memref<1664x32xf32, #tpu.memory_space<vmem>> -> memref<128x32xf32, #tpu.memory_space<vmem>>
      %dma_start3A_176 = arith.constant 0 : i32
      %dma_start3A_177 = tpu.memref_slice %arg5[%add3A_172, %dma_start3A_176] : memref<104x128xi32, #tpu.memory_space<vmem>> -> memref<1x128xi32, #tpu.memory_space<vmem>>
      %dma_start3A_178 = tpu.memref_squeeze %dma_start3A_177 : memref<1x128xi32, #tpu.memory_space<vmem>> -> memref<128xi32, #tpu.memory_space<vmem>>
      %dma_start3A_179 = arith.constant 0 : i32
      %dma_start3A_180 = arith.constant 0 : i32
      %dma_start3A_181 = tpu.memref_slice %arg2[%dma_start3A_179, %dma_start3A_180] : memref<2600000x32xf32, #tpu.memory_space<hbm>> -> memref<2600000x32xf32, #tpu.memory_space<hbm>>
      tpu.enqueue_indirect_dma source(%dma_start3A_181 : memref<2600000x32xf32, #tpu.memory_space<hbm>>) target(%dma_start3A_175 : memref<128x32xf32, #tpu.memory_space<vmem>>) offsets(%dma_start3A_178 : memref<128xi32, #tpu.memory_space<vmem>>) semaphore(%arg9 : memref<!tpu.dma_semaphore, #tpu.memory_space<semaphore_mem>>)
      %mul3A_182 = arith.constant 13 : i32
      %mul3A_183 = arith.muli %add3A_155, %mul3A_182 : i32
      %add3A_184 = arith.constant 2 : i32
      %add3A_185 = arith.addi %mul3A_183, %add3A_184 : i32
      %dma_start3A_186 = arith.constant 256 : i32
      %dma_start3A_187 = arith.constant 0 : i32
      %dma_start3A_188 = tpu.memref_slice %arg7[%dma_start3A_186, %dma_start3A_187] : memref<1664x32xf32, #tpu.memory_space<vmem>> -> memref<128x32xf32, #tpu.memory_space<vmem>>
      %dma_start3A_189 = arith.constant 0 : i32
      %dma_start3A_190 = tpu.memref_slice %arg5[%add3A_185, %dma_start3A_189] : memref<104x128xi32, #tpu.memory_space<vmem>> -> memref<1x128xi32, #tpu.memory_space<vmem>>
      %dma_start3A_191 = tpu.memref_squeeze %dma_start3A_190 : memref<1x128xi32, #tpu.memory_space<vmem>> -> memref<128xi32, #tpu.memory_space<vmem>>
      %dma_start3A_192 = arith.constant 0 : i32
      %dma_start3A_193 = arith.constant 0 : i32
      %dma_start3A_194 = tpu.memref_slice %arg2[%dma_start3A_192, %dma_start3A_193] : memref<2600000x32xf32, #tpu.memory_space<hbm>> -> memref<2600000x32xf32, #tpu.memory_space<hbm>>
      tpu.enqueue_indirect_dma source(%dma_start3A_194 : memref<2600000x32xf32, #tpu.memory_space<hbm>>) target(%dma_start3A_188 : memref<128x32xf32, #tpu.memory_space<vmem>>) offsets(%dma_start3A_191 : memref<128xi32, #tpu.memory_space<vmem>>) semaphore(%arg9 : memref<!tpu.dma_semaphore, #tpu.memory_space<semaphore_mem>>)
      %mul3A_195 = arith.constant 13 : i32
      %mul3A_196 = arith.muli %add3A_155, %mul3A_195 : i32
      %add3A_197 = arith.constant 3 : i32
      %add3A_198 = arith.addi %mul3A_196, %add3A_197 : i32
      %dma_start3A_199 = arith.constant 384 : i32
      %dma_start3A_200 = arith.constant 0 : i32
      %dma_start3A_201 = tpu.memref_slice %arg7[%dma_start3A_199, %dma_start3A_200] : memref<1664x32xf32, #tpu.memory_space<vmem>> -> memref<128x32xf32, #tpu.memory_space<vmem>>
      %dma_start3A_202 = arith.constant 0 : i32
      %dma_start3A_203 = tpu.memref_slice %arg5[%add3A_198, %dma_start3A_202] : memref<104x128xi32, #tpu.memory_space<vmem>> -> memref<1x128xi32, #tpu.memory_space<vmem>>
      %dma_start3A_204 = tpu.memref_squeeze %dma_start3A_203 : memref<1x128xi32, #tpu.memory_space<vmem>> -> memref<128xi32, #tpu.memory_space<vmem>>
      %dma_start3A_205 = arith.constant 0 : i32
      %dma_start3A_206 = arith.constant 0 : i32
      %dma_start3A_207 = tpu.memref_slice %arg2[%dma_start3A_205, %dma_start3A_206] : memref<2600000x32xf32, #tpu.memory_space<hbm>> -> memref<2600000x32xf32, #tpu.memory_space<hbm>>
      tpu.enqueue_indirect_dma source(%dma_start3A_207 : memref<2600000x32xf32, #tpu.memory_space<hbm>>) target(%dma_start3A_201 : memref<128x32xf32, #tpu.memory_space<vmem>>) offsets(%dma_start3A_204 : memref<128xi32, #tpu.memory_space<vmem>>) semaphore(%arg9 : memref<!tpu.dma_semaphore, #tpu.memory_space<semaphore_mem>>)
      %mul3A_208 = arith.constant 13 : i32
      %mul3A_209 = arith.muli %add3A_155, %mul3A_208 : i32
      %add3A_210 = arith.constant 4 : i32
      %add3A_211 = arith.addi %mul3A_209, %add3A_210 : i32
      %dma_start3A_212 = arith.constant 512 : i32
      %dma_start3A_213 = arith.constant 0 : i32
      %dma_start3A_214 = tpu.memref_slice %arg7[%dma_start3A_212, %dma_start3A_213] : memref<1664x32xf32, #tpu.memory_space<vmem>> -> memref<128x32xf32, #tpu.memory_space<vmem>>
      %dma_start3A_215 = arith.constant 0 : i32
      %dma_start3A_216 = tpu.memref_slice %arg5[%add3A_211, %dma_start3A_215] : memref<104x128xi32, #tpu.memory_space<vmem>> -> memref<1x128xi32, #tpu.memory_space<vmem>>
      %dma_start3A_217 = tpu.memref_squeeze %dma_start3A_216 : memref<1x128xi32, #tpu.memory_space<vmem>> -> memref<128xi32, #tpu.memory_space<vmem>>
      %dma_start3A_218 = arith.constant 0 : i32
      %dma_start3A_219 = arith.constant 0 : i32
      %dma_start3A_220 = tpu.memref_slice %arg2[%dma_start3A_218, %dma_start3A_219] : memref<2600000x32xf32, #tpu.memory_space<hbm>> -> memref<2600000x32xf32, #tpu.memory_space<hbm>>
      tpu.enqueue_indirect_dma source(%dma_start3A_220 : memref<2600000x32xf32, #tpu.memory_space<hbm>>) target(%dma_start3A_214 : memref<128x32xf32, #tpu.memory_space<vmem>>) offsets(%dma_start3A_217 : memref<128xi32, #tpu.memory_space<vmem>>) semaphore(%arg9 : memref<!tpu.dma_semaphore, #tpu.memory_space<semaphore_mem>>)
      %mul3A_221 = arith.constant 13 : i32
      %mul3A_222 = arith.muli %add3A_155, %mul3A_221 : i32
      %add3A_223 = arith.constant 5 : i32
      %add3A_224 = arith.addi %mul3A_222, %add3A_223 : i32
      %dma_start3A_225 = arith.constant 640 : i32
      %dma_start3A_226 = arith.constant 0 : i32
      %dma_start3A_227 = tpu.memref_slice %arg7[%dma_start3A_225, %dma_start3A_226] : memref<1664x32xf32, #tpu.memory_space<vmem>> -> memref<128x32xf32, #tpu.memory_space<vmem>>
      %dma_start3A_228 = arith.constant 0 : i32
      %dma_start3A_229 = tpu.memref_slice %arg5[%add3A_224, %dma_start3A_228] : memref<104x128xi32, #tpu.memory_space<vmem>> -> memref<1x128xi32, #tpu.memory_space<vmem>>
      %dma_start3A_230 = tpu.memref_squeeze %dma_start3A_229 : memref<1x128xi32, #tpu.memory_space<vmem>> -> memref<128xi32, #tpu.memory_space<vmem>>
      %dma_start3A_231 = arith.constant 0 : i32
      %dma_start3A_232 = arith.constant 0 : i32
      %dma_start3A_233 = tpu.memref_slice %arg2[%dma_start3A_231, %dma_start3A_232] : memref<2600000x32xf32, #tpu.memory_space<hbm>> -> memref<2600000x32xf32, #tpu.memory_space<hbm>>
      tpu.enqueue_indirect_dma source(%dma_start3A_233 : memref<2600000x32xf32, #tpu.memory_space<hbm>>) target(%dma_start3A_227 : memref<128x32xf32, #tpu.memory_space<vmem>>) offsets(%dma_start3A_230 : memref<128xi32, #tpu.memory_space<vmem>>) semaphore(%arg9 : memref<!tpu.dma_semaphore, #tpu.memory_space<semaphore_mem>>)
      %mul3A_234 = arith.constant 13 : i32
      %mul3A_235 = arith.muli %add3A_155, %mul3A_234 : i32
      %add3A_236 = arith.constant 6 : i32
      %add3A_237 = arith.addi %mul3A_235, %add3A_236 : i32
      %dma_start3A_238 = arith.constant 768 : i32
      %dma_start3A_239 = arith.constant 0 : i32
      %dma_start3A_240 = tpu.memref_slice %arg7[%dma_start3A_238, %dma_start3A_239] : memref<1664x32xf32, #tpu.memory_space<vmem>> -> memref<128x32xf32, #tpu.memory_space<vmem>>
      %dma_start3A_241 = arith.constant 0 : i32
      %dma_start3A_242 = tpu.memref_slice %arg5[%add3A_237, %dma_start3A_241] : memref<104x128xi32, #tpu.memory_space<vmem>> -> memref<1x128xi32, #tpu.memory_space<vmem>>
      %dma_start3A_243 = tpu.memref_squeeze %dma_start3A_242 : memref<1x128xi32, #tpu.memory_space<vmem>> -> memref<128xi32, #tpu.memory_space<vmem>>
      %dma_start3A_244 = arith.constant 0 : i32
      %dma_start3A_245 = arith.constant 0 : i32
      %dma_start3A_246 = tpu.memref_slice %arg2[%dma_start3A_244, %dma_start3A_245] : memref<2600000x32xf32, #tpu.memory_space<hbm>> -> memref<2600000x32xf32, #tpu.memory_space<hbm>>
      tpu.enqueue_indirect_dma source(%dma_start3A_246 : memref<2600000x32xf32, #tpu.memory_space<hbm>>) target(%dma_start3A_240 : memref<128x32xf32, #tpu.memory_space<vmem>>) offsets(%dma_start3A_243 : memref<128xi32, #tpu.memory_space<vmem>>) semaphore(%arg9 : memref<!tpu.dma_semaphore, #tpu.memory_space<semaphore_mem>>)
      %mul3A_247 = arith.constant 13 : i32
      %mul3A_248 = arith.muli %add3A_155, %mul3A_247 : i32
      %add3A_249 = arith.constant 7 : i32
      %add3A_250 = arith.addi %mul3A_248, %add3A_249 : i32
      %dma_start3A_251 = arith.constant 896 : i32
      %dma_start3A_252 = arith.constant 0 : i32
      %dma_start3A_253 = tpu.memref_slice %arg7[%dma_start3A_251, %dma_start3A_252] : memref<1664x32xf32, #tpu.memory_space<vmem>> -> memref<128x32xf32, #tpu.memory_space<vmem>>
      %dma_start3A_254 = arith.constant 0 : i32
      %dma_start3A_255 = tpu.memref_slice %arg5[%add3A_250, %dma_start3A_254] : memref<104x128xi32, #tpu.memory_space<vmem>> -> memref<1x128xi32, #tpu.memory_space<vmem>>
      %dma_start3A_256 = tpu.memref_squeeze %dma_start3A_255 : memref<1x128xi32, #tpu.memory_space<vmem>> -> memref<128xi32, #tpu.memory_space<vmem>>
      %dma_start3A_257 = arith.constant 0 : i32
      %dma_start3A_258 = arith.constant 0 : i32
      %dma_start3A_259 = tpu.memref_slice %arg2[%dma_start3A_257, %dma_start3A_258] : memref<2600000x32xf32, #tpu.memory_space<hbm>> -> memref<2600000x32xf32, #tpu.memory_space<hbm>>
      tpu.enqueue_indirect_dma source(%dma_start3A_259 : memref<2600000x32xf32, #tpu.memory_space<hbm>>) target(%dma_start3A_253 : memref<128x32xf32, #tpu.memory_space<vmem>>) offsets(%dma_start3A_256 : memref<128xi32, #tpu.memory_space<vmem>>) semaphore(%arg9 : memref<!tpu.dma_semaphore, #tpu.memory_space<semaphore_mem>>)
      %mul3A_260 = arith.constant 13 : i32
      %mul3A_261 = arith.muli %add3A_155, %mul3A_260 : i32
      %add3A_262 = arith.constant 8 : i32
      %add3A_263 = arith.addi %mul3A_261, %add3A_262 : i32
      %dma_start3A_264 = arith.constant 1024 : i32
      %dma_start3A_265 = arith.constant 0 : i32
      %dma_start3A_266 = tpu.memref_slice %arg7[%dma_start3A_264, %dma_start3A_265] : memref<1664x32xf32, #tpu.memory_space<vmem>> -> memref<128x32xf32, #tpu.memory_space<vmem>>
      %dma_start3A_267 = arith.constant 0 : i32
      %dma_start3A_268 = tpu.memref_slice %arg5[%add3A_263, %dma_start3A_267] : memref<104x128xi32, #tpu.memory_space<vmem>> -> memref<1x128xi32, #tpu.memory_space<vmem>>
      %dma_start3A_269 = tpu.memref_squeeze %dma_start3A_268 : memref<1x128xi32, #tpu.memory_space<vmem>> -> memref<128xi32, #tpu.memory_space<vmem>>
      %dma_start3A_270 = arith.constant 0 : i32
      %dma_start3A_271 = arith.constant 0 : i32
      %dma_start3A_272 = tpu.memref_slice %arg2[%dma_start3A_270, %dma_start3A_271] : memref<2600000x32xf32, #tpu.memory_space<hbm>> -> memref<2600000x32xf32, #tpu.memory_space<hbm>>
      tpu.enqueue_indirect_dma source(%dma_start3A_272 : memref<2600000x32xf32, #tpu.memory_space<hbm>>) target(%dma_start3A_266 : memref<128x32xf32, #tpu.memory_space<vmem>>) offsets(%dma_start3A_269 : memref<128xi32, #tpu.memory_space<vmem>>) semaphore(%arg9 : memref<!tpu.dma_semaphore, #tpu.memory_space<semaphore_mem>>)
      %mul3A_273 = arith.constant 13 : i32
      %mul3A_274 = arith.muli %add3A_155, %mul3A_273 : i32
      %add3A_275 = arith.constant 9 : i32
      %add3A_276 = arith.addi %mul3A_274, %add3A_275 : i32
      %dma_start3A_277 = arith.constant 1152 : i32
      %dma_start3A_278 = arith.constant 0 : i32
      %dma_start3A_279 = tpu.memref_slice %arg7[%dma_start3A_277, %dma_start3A_278] : memref<1664x32xf32, #tpu.memory_space<vmem>> -> memref<128x32xf32, #tpu.memory_space<vmem>>
      %dma_start3A_280 = arith.constant 0 : i32
      %dma_start3A_281 = tpu.memref_slice %arg5[%add3A_276, %dma_start3A_280] : memref<104x128xi32, #tpu.memory_space<vmem>> -> memref<1x128xi32, #tpu.memory_space<vmem>>
      %dma_start3A_282 = tpu.memref_squeeze %dma_start3A_281 : memref<1x128xi32, #tpu.memory_space<vmem>> -> memref<128xi32, #tpu.memory_space<vmem>>
      %dma_start3A_283 = arith.constant 0 : i32
      %dma_start3A_284 = arith.constant 0 : i32
      %dma_start3A_285 = tpu.memref_slice %arg2[%dma_start3A_283, %dma_start3A_284] : memref<2600000x32xf32, #tpu.memory_space<hbm>> -> memref<2600000x32xf32, #tpu.memory_space<hbm>>
      tpu.enqueue_indirect_dma source(%dma_start3A_285 : memref<2600000x32xf32, #tpu.memory_space<hbm>>) target(%dma_start3A_279 : memref<128x32xf32, #tpu.memory_space<vmem>>) offsets(%dma_start3A_282 : memref<128xi32, #tpu.memory_space<vmem>>) semaphore(%arg9 : memref<!tpu.dma_semaphore, #tpu.memory_space<semaphore_mem>>)
      %mul3A_286 = arith.constant 13 : i32
      %mul3A_287 = arith.muli %add3A_155, %mul3A_286 : i32
      %add3A_288 = arith.constant 10 : i32
      %add3A_289 = arith.addi %mul3A_287, %add3A_288 : i32
      %dma_start3A_290 = arith.constant 1280 : i32
      %dma_start3A_291 = arith.constant 0 : i32
      %dma_start3A_292 = tpu.memref_slice %arg7[%dma_start3A_290, %dma_start3A_291] : memref<1664x32xf32, #tpu.memory_space<vmem>> -> memref<128x32xf32, #tpu.memory_space<vmem>>
      %dma_start3A_293 = arith.constant 0 : i32
      %dma_start3A_294 = tpu.memref_slice %arg5[%add3A_289, %dma_start3A_293] : memref<104x128xi32, #tpu.memory_space<vmem>> -> memref<1x128xi32, #tpu.memory_space<vmem>>
      %dma_start3A_295 = tpu.memref_squeeze %dma_start3A_294 : memref<1x128xi32, #tpu.memory_space<vmem>> -> memref<128xi32, #tpu.memory_space<vmem>>
      %dma_start3A_296 = arith.constant 0 : i32
      %dma_start3A_297 = arith.constant 0 : i32
      %dma_start3A_298 = tpu.memref_slice %arg2[%dma_start3A_296, %dma_start3A_297] : memref<2600000x32xf32, #tpu.memory_space<hbm>> -> memref<2600000x32xf32, #tpu.memory_space<hbm>>
      tpu.enqueue_indirect_dma source(%dma_start3A_298 : memref<2600000x32xf32, #tpu.memory_space<hbm>>) target(%dma_start3A_292 : memref<128x32xf32, #tpu.memory_space<vmem>>) offsets(%dma_start3A_295 : memref<128xi32, #tpu.memory_space<vmem>>) semaphore(%arg9 : memref<!tpu.dma_semaphore, #tpu.memory_space<semaphore_mem>>)
      %mul3A_299 = arith.constant 13 : i32
      %mul3A_300 = arith.muli %add3A_155, %mul3A_299 : i32
      %add3A_301 = arith.constant 11 : i32
      %add3A_302 = arith.addi %mul3A_300, %add3A_301 : i32
      %dma_start3A_303 = arith.constant 1408 : i32
      %dma_start3A_304 = arith.constant 0 : i32
      %dma_start3A_305 = tpu.memref_slice %arg7[%dma_start3A_303, %dma_start3A_304] : memref<1664x32xf32, #tpu.memory_space<vmem>> -> memref<128x32xf32, #tpu.memory_space<vmem>>
      %dma_start3A_306 = arith.constant 0 : i32
      %dma_start3A_307 = tpu.memref_slice %arg5[%add3A_302, %dma_start3A_306] : memref<104x128xi32, #tpu.memory_space<vmem>> -> memref<1x128xi32, #tpu.memory_space<vmem>>
      %dma_start3A_308 = tpu.memref_squeeze %dma_start3A_307 : memref<1x128xi32, #tpu.memory_space<vmem>> -> memref<128xi32, #tpu.memory_space<vmem>>
      %dma_start3A_309 = arith.constant 0 : i32
      %dma_start3A_310 = arith.constant 0 : i32
      %dma_start3A_311 = tpu.memref_slice %arg2[%dma_start3A_309, %dma_start3A_310] : memref<2600000x32xf32, #tpu.memory_space<hbm>> -> memref<2600000x32xf32, #tpu.memory_space<hbm>>
      tpu.enqueue_indirect_dma source(%dma_start3A_311 : memref<2600000x32xf32, #tpu.memory_space<hbm>>) target(%dma_start3A_305 : memref<128x32xf32, #tpu.memory_space<vmem>>) offsets(%dma_start3A_308 : memref<128xi32, #tpu.memory_space<vmem>>) semaphore(%arg9 : memref<!tpu.dma_semaphore, #tpu.memory_space<semaphore_mem>>)
      %mul3A_312 = arith.constant 13 : i32
      %mul3A_313 = arith.muli %add3A_155, %mul3A_312 : i32
      %add3A_314 = arith.constant 12 : i32
      %add3A_315 = arith.addi %mul3A_313, %add3A_314 : i32
      %dma_start3A_316 = arith.constant 1536 : i32
      %dma_start3A_317 = arith.constant 0 : i32
      %dma_start3A_318 = tpu.memref_slice %arg7[%dma_start3A_316, %dma_start3A_317] : memref<1664x32xf32, #tpu.memory_space<vmem>> -> memref<128x32xf32, #tpu.memory_space<vmem>>
      %dma_start3A_319 = arith.constant 0 : i32
      %dma_start3A_320 = tpu.memref_slice %arg5[%add3A_315, %dma_start3A_319] : memref<104x128xi32, #tpu.memory_space<vmem>> -> memref<1x128xi32, #tpu.memory_space<vmem>>
      %dma_start3A_321 = tpu.memref_squeeze %dma_start3A_320 : memref<1x128xi32, #tpu.memory_space<vmem>> -> memref<128xi32, #tpu.memory_space<vmem>>
      %dma_start3A_322 = arith.constant 0 : i32
      %dma_start3A_323 = arith.constant 0 : i32
      %dma_start3A_324 = tpu.memref_slice %arg2[%dma_start3A_322, %dma_start3A_323] : memref<2600000x32xf32, #tpu.memory_space<hbm>> -> memref<2600000x32xf32, #tpu.memory_space<hbm>>
      tpu.enqueue_indirect_dma source(%dma_start3A_324 : memref<2600000x32xf32, #tpu.memory_space<hbm>>) target(%dma_start3A_318 : memref<128x32xf32, #tpu.memory_space<vmem>>) offsets(%dma_start3A_321 : memref<128xi32, #tpu.memory_space<vmem>>) semaphore(%arg9 : memref<!tpu.dma_semaphore, #tpu.memory_space<semaphore_mem>>)
      %dma_wait3A_325 = arith.constant 0 : i32
      %dma_wait3A_326 = arith.constant 0 : i32
      %dma_wait3A_327 = tpu.memref_slice %arg4[%dma_wait3A_325, %dma_wait3A_326] : memref<425984x32xf32, #tpu.memory_space<hbm>> -> memref<1664x32xf32, #tpu.memory_space<hbm>>
      %dma_wait3A_328 = arith.constant 0 : i32
      %dma_wait3A_329 = arith.constant 0 : i32
      %dma_wait3A_330 = tpu.memref_slice %arg4[%dma_wait3A_328, %dma_wait3A_329] : memref<425984x32xf32, #tpu.memory_space<hbm>> -> memref<1664x32xf32, #tpu.memory_space<hbm>>
      tpu.wait_dma2 semaphore(%arg8 : memref<!tpu.dma_semaphore, #tpu.memory_space<semaphore_mem>>) src(%dma_wait3A_330 : memref<1664x32xf32, #tpu.memory_space<hbm>>) dst(%arg6 : memref<1664x32xf32, #tpu.memory_space<vmem>>)
      %mul3A_331 = arith.constant 1664 : i32
      %mul3A_332 = arith.muli %mul3A_151, %mul3A_331 : i32
      %add3A_333 = arith.addi %mul3A_4, %mul3A_332 : i32
      %dma_start3A_334 = arith.constant 0 : i32
      %dma_start3A_335 = tpu.memref_slice %arg4[%add3A_333, %dma_start3A_334] : memref<425984x32xf32, #tpu.memory_space<hbm>> -> memref<1664x32xf32, #tpu.memory_space<hbm>>
      %dma_start3A_336 = arith.constant 0 : i32
      %dma_start3A_337 = tpu.memref_slice %arg4[%add3A_333, %dma_start3A_336] : memref<425984x32xf32, #tpu.memory_space<hbm>> -> memref<1664x32xf32, #tpu.memory_space<hbm>>
      tpu.enqueue_dma source(%arg6 : memref<1664x32xf32, #tpu.memory_space<vmem>>) target(%dma_start3A_337 : memref<1664x32xf32, #tpu.memory_space<hbm>>) target_semaphore(%arg10 : memref<!tpu.dma_semaphore, #tpu.memory_space<semaphore_mem>>)
      %add3A_338 = arith.constant 2 : i32
      %add3A_339 = arith.addi %mul3A_151, %add3A_338 : i32
      %lt3A = arith.constant 8 : i32
      %lt3A_340 = arith.cmpi slt, %add3A_339, %lt3A : i32
      %convert_element_type3A_341 = arith.extui %lt3A_340 : i1 to i32
      %cond3A_342 = arith.constant 0 : i32
      %cond3A_343 = arith.cmpi ne, %convert_element_type3A_341, %cond3A_342 : i32
      scf.if %cond3A_343 {
        %dma_wait3A_359 = arith.constant 0 : i32
        %dma_wait3A_360 = arith.constant 0 : i32
        %dma_wait3A_361 = tpu.memref_slice %arg4[%dma_wait3A_359, %dma_wait3A_360] : memref<425984x32xf32, #tpu.memory_space<hbm>> -> memref<1664x32xf32, #tpu.memory_space<hbm>>
        %dma_wait3A_362 = arith.constant 0 : i32
        %dma_wait3A_363 = arith.constant 0 : i32
        %dma_wait3A_364 = tpu.memref_slice %arg4[%dma_wait3A_362, %dma_wait3A_363] : memref<425984x32xf32, #tpu.memory_space<hbm>> -> memref<1664x32xf32, #tpu.memory_space<hbm>>
        tpu.wait_dma2 semaphore(%arg10 : memref<!tpu.dma_semaphore, #tpu.memory_space<semaphore_mem>>) src(%dma_wait3A_364 : memref<1664x32xf32, #tpu.memory_space<hbm>>) dst(%arg6 : memref<1664x32xf32, #tpu.memory_space<vmem>>)
        %add3A_365 = arith.constant 2 : i32
        %add3A_366 = arith.addi %mul3A_151, %add3A_365 : i32
        %mul3A_367 = arith.constant 13 : i32
        %mul3A_368 = arith.muli %add3A_366, %mul3A_367 : i32
        %add3A_369 = arith.constant 0 : i32
        %add3A_370 = arith.addi %mul3A_368, %add3A_369 : i32
        %dma_start3A_371 = arith.constant 0 : i32
        %dma_start3A_372 = arith.constant 0 : i32
        %dma_start3A_373 = tpu.memref_slice %arg6[%dma_start3A_371, %dma_start3A_372] : memref<1664x32xf32, #tpu.memory_space<vmem>> -> memref<128x32xf32, #tpu.memory_space<vmem>>
        %dma_start3A_374 = arith.constant 0 : i32
        %dma_start3A_375 = tpu.memref_slice %arg5[%add3A_370, %dma_start3A_374] : memref<104x128xi32, #tpu.memory_space<vmem>> -> memref<1x128xi32, #tpu.memory_space<vmem>>
        %dma_start3A_376 = tpu.memref_squeeze %dma_start3A_375 : memref<1x128xi32, #tpu.memory_space<vmem>> -> memref<128xi32, #tpu.memory_space<vmem>>
        %dma_start3A_377 = arith.constant 0 : i32
        %dma_start3A_378 = arith.constant 0 : i32
        %dma_start3A_379 = tpu.memref_slice %arg2[%dma_start3A_377, %dma_start3A_378] : memref<2600000x32xf32, #tpu.memory_space<hbm>> -> memref<2600000x32xf32, #tpu.memory_space<hbm>>
        tpu.enqueue_indirect_dma source(%dma_start3A_379 : memref<2600000x32xf32, #tpu.memory_space<hbm>>) target(%dma_start3A_373 : memref<128x32xf32, #tpu.memory_space<vmem>>) offsets(%dma_start3A_376 : memref<128xi32, #tpu.memory_space<vmem>>) semaphore(%arg8 : memref<!tpu.dma_semaphore, #tpu.memory_space<semaphore_mem>>)
        %mul3A_380 = arith.constant 13 : i32
        %mul3A_381 = arith.muli %add3A_366, %mul3A_380 : i32
        %add3A_382 = arith.constant 1 : i32
        %add3A_383 = arith.addi %mul3A_381, %add3A_382 : i32
        %dma_start3A_384 = arith.constant 128 : i32
        %dma_start3A_385 = arith.constant 0 : i32
        %dma_start3A_386 = tpu.memref_slice %arg6[%dma_start3A_384, %dma_start3A_385] : memref<1664x32xf32, #tpu.memory_space<vmem>> -> memref<128x32xf32, #tpu.memory_space<vmem>>
        %dma_start3A_387 = arith.constant 0 : i32
        %dma_start3A_388 = tpu.memref_slice %arg5[%add3A_383, %dma_start3A_387] : memref<104x128xi32, #tpu.memory_space<vmem>> -> memref<1x128xi32, #tpu.memory_space<vmem>>
        %dma_start3A_389 = tpu.memref_squeeze %dma_start3A_388 : memref<1x128xi32, #tpu.memory_space<vmem>> -> memref<128xi32, #tpu.memory_space<vmem>>
        %dma_start3A_390 = arith.constant 0 : i32
        %dma_start3A_391 = arith.constant 0 : i32
        %dma_start3A_392 = tpu.memref_slice %arg2[%dma_start3A_390, %dma_start3A_391] : memref<2600000x32xf32, #tpu.memory_space<hbm>> -> memref<2600000x32xf32, #tpu.memory_space<hbm>>
        tpu.enqueue_indirect_dma source(%dma_start3A_392 : memref<2600000x32xf32, #tpu.memory_space<hbm>>) target(%dma_start3A_386 : memref<128x32xf32, #tpu.memory_space<vmem>>) offsets(%dma_start3A_389 : memref<128xi32, #tpu.memory_space<vmem>>) semaphore(%arg8 : memref<!tpu.dma_semaphore, #tpu.memory_space<semaphore_mem>>)
        %mul3A_393 = arith.constant 13 : i32
        %mul3A_394 = arith.muli %add3A_366, %mul3A_393 : i32
        %add3A_395 = arith.constant 2 : i32
        %add3A_396 = arith.addi %mul3A_394, %add3A_395 : i32
        %dma_start3A_397 = arith.constant 256 : i32
        %dma_start3A_398 = arith.constant 0 : i32
        %dma_start3A_399 = tpu.memref_slice %arg6[%dma_start3A_397, %dma_start3A_398] : memref<1664x32xf32, #tpu.memory_space<vmem>> -> memref<128x32xf32, #tpu.memory_space<vmem>>
        %dma_start3A_400 = arith.constant 0 : i32
        %dma_start3A_401 = tpu.memref_slice %arg5[%add3A_396, %dma_start3A_400] : memref<104x128xi32, #tpu.memory_space<vmem>> -> memref<1x128xi32, #tpu.memory_space<vmem>>
        %dma_start3A_402 = tpu.memref_squeeze %dma_start3A_401 : memref<1x128xi32, #tpu.memory_space<vmem>> -> memref<128xi32, #tpu.memory_space<vmem>>
        %dma_start3A_403 = arith.constant 0 : i32
        %dma_start3A_404 = arith.constant 0 : i32
        %dma_start3A_405 = tpu.memref_slice %arg2[%dma_start3A_403, %dma_start3A_404] : memref<2600000x32xf32, #tpu.memory_space<hbm>> -> memref<2600000x32xf32, #tpu.memory_space<hbm>>
        tpu.enqueue_indirect_dma source(%dma_start3A_405 : memref<2600000x32xf32, #tpu.memory_space<hbm>>) target(%dma_start3A_399 : memref<128x32xf32, #tpu.memory_space<vmem>>) offsets(%dma_start3A_402 : memref<128xi32, #tpu.memory_space<vmem>>) semaphore(%arg8 : memref<!tpu.dma_semaphore, #tpu.memory_space<semaphore_mem>>)
        %mul3A_406 = arith.constant 13 : i32
        %mul3A_407 = arith.muli %add3A_366, %mul3A_406 : i32
        %add3A_408 = arith.constant 3 : i32
        %add3A_409 = arith.addi %mul3A_407, %add3A_408 : i32
        %dma_start3A_410 = arith.constant 384 : i32
        %dma_start3A_411 = arith.constant 0 : i32
        %dma_start3A_412 = tpu.memref_slice %arg6[%dma_start3A_410, %dma_start3A_411] : memref<1664x32xf32, #tpu.memory_space<vmem>> -> memref<128x32xf32, #tpu.memory_space<vmem>>
        %dma_start3A_413 = arith.constant 0 : i32
        %dma_start3A_414 = tpu.memref_slice %arg5[%add3A_409, %dma_start3A_413] : memref<104x128xi32, #tpu.memory_space<vmem>> -> memref<1x128xi32, #tpu.memory_space<vmem>>
        %dma_start3A_415 = tpu.memref_squeeze %dma_start3A_414 : memref<1x128xi32, #tpu.memory_space<vmem>> -> memref<128xi32, #tpu.memory_space<vmem>>
        %dma_start3A_416 = arith.constant 0 : i32
        %dma_start3A_417 = arith.constant 0 : i32
        %dma_start3A_418 = tpu.memref_slice %arg2[%dma_start3A_416, %dma_start3A_417] : memref<2600000x32xf32, #tpu.memory_space<hbm>> -> memref<2600000x32xf32, #tpu.memory_space<hbm>>
        tpu.enqueue_indirect_dma source(%dma_start3A_418 : memref<2600000x32xf32, #tpu.memory_space<hbm>>) target(%dma_start3A_412 : memref<128x32xf32, #tpu.memory_space<vmem>>) offsets(%dma_start3A_415 : memref<128xi32, #tpu.memory_space<vmem>>) semaphore(%arg8 : memref<!tpu.dma_semaphore, #tpu.memory_space<semaphore_mem>>)
        %mul3A_419 = arith.constant 13 : i32
        %mul3A_420 = arith.muli %add3A_366, %mul3A_419 : i32
        %add3A_421 = arith.constant 4 : i32
        %add3A_422 = arith.addi %mul3A_420, %add3A_421 : i32
        %dma_start3A_423 = arith.constant 512 : i32
        %dma_start3A_424 = arith.constant 0 : i32
        %dma_start3A_425 = tpu.memref_slice %arg6[%dma_start3A_423, %dma_start3A_424] : memref<1664x32xf32, #tpu.memory_space<vmem>> -> memref<128x32xf32, #tpu.memory_space<vmem>>
        %dma_start3A_426 = arith.constant 0 : i32
        %dma_start3A_427 = tpu.memref_slice %arg5[%add3A_422, %dma_start3A_426] : memref<104x128xi32, #tpu.memory_space<vmem>> -> memref<1x128xi32, #tpu.memory_space<vmem>>
        %dma_start3A_428 = tpu.memref_squeeze %dma_start3A_427 : memref<1x128xi32, #tpu.memory_space<vmem>> -> memref<128xi32, #tpu.memory_space<vmem>>
        %dma_start3A_429 = arith.constant 0 : i32
        %dma_start3A_430 = arith.constant 0 : i32
        %dma_start3A_431 = tpu.memref_slice %arg2[%dma_start3A_429, %dma_start3A_430] : memref<2600000x32xf32, #tpu.memory_space<hbm>> -> memref<2600000x32xf32, #tpu.memory_space<hbm>>
        tpu.enqueue_indirect_dma source(%dma_start3A_431 : memref<2600000x32xf32, #tpu.memory_space<hbm>>) target(%dma_start3A_425 : memref<128x32xf32, #tpu.memory_space<vmem>>) offsets(%dma_start3A_428 : memref<128xi32, #tpu.memory_space<vmem>>) semaphore(%arg8 : memref<!tpu.dma_semaphore, #tpu.memory_space<semaphore_mem>>)
        %mul3A_432 = arith.constant 13 : i32
        %mul3A_433 = arith.muli %add3A_366, %mul3A_432 : i32
        %add3A_434 = arith.constant 5 : i32
        %add3A_435 = arith.addi %mul3A_433, %add3A_434 : i32
        %dma_start3A_436 = arith.constant 640 : i32
        %dma_start3A_437 = arith.constant 0 : i32
        %dma_start3A_438 = tpu.memref_slice %arg6[%dma_start3A_436, %dma_start3A_437] : memref<1664x32xf32, #tpu.memory_space<vmem>> -> memref<128x32xf32, #tpu.memory_space<vmem>>
        %dma_start3A_439 = arith.constant 0 : i32
        %dma_start3A_440 = tpu.memref_slice %arg5[%add3A_435, %dma_start3A_439] : memref<104x128xi32, #tpu.memory_space<vmem>> -> memref<1x128xi32, #tpu.memory_space<vmem>>
        %dma_start3A_441 = tpu.memref_squeeze %dma_start3A_440 : memref<1x128xi32, #tpu.memory_space<vmem>> -> memref<128xi32, #tpu.memory_space<vmem>>
        %dma_start3A_442 = arith.constant 0 : i32
        %dma_start3A_443 = arith.constant 0 : i32
        %dma_start3A_444 = tpu.memref_slice %arg2[%dma_start3A_442, %dma_start3A_443] : memref<2600000x32xf32, #tpu.memory_space<hbm>> -> memref<2600000x32xf32, #tpu.memory_space<hbm>>
        tpu.enqueue_indirect_dma source(%dma_start3A_444 : memref<2600000x32xf32, #tpu.memory_space<hbm>>) target(%dma_start3A_438 : memref<128x32xf32, #tpu.memory_space<vmem>>) offsets(%dma_start3A_441 : memref<128xi32, #tpu.memory_space<vmem>>) semaphore(%arg8 : memref<!tpu.dma_semaphore, #tpu.memory_space<semaphore_mem>>)
        %mul3A_445 = arith.constant 13 : i32
        %mul3A_446 = arith.muli %add3A_366, %mul3A_445 : i32
        %add3A_447 = arith.constant 6 : i32
        %add3A_448 = arith.addi %mul3A_446, %add3A_447 : i32
        %dma_start3A_449 = arith.constant 768 : i32
        %dma_start3A_450 = arith.constant 0 : i32
        %dma_start3A_451 = tpu.memref_slice %arg6[%dma_start3A_449, %dma_start3A_450] : memref<1664x32xf32, #tpu.memory_space<vmem>> -> memref<128x32xf32, #tpu.memory_space<vmem>>
        %dma_start3A_452 = arith.constant 0 : i32
        %dma_start3A_453 = tpu.memref_slice %arg5[%add3A_448, %dma_start3A_452] : memref<104x128xi32, #tpu.memory_space<vmem>> -> memref<1x128xi32, #tpu.memory_space<vmem>>
        %dma_start3A_454 = tpu.memref_squeeze %dma_start3A_453 : memref<1x128xi32, #tpu.memory_space<vmem>> -> memref<128xi32, #tpu.memory_space<vmem>>
        %dma_start3A_455 = arith.constant 0 : i32
        %dma_start3A_456 = arith.constant 0 : i32
        %dma_start3A_457 = tpu.memref_slice %arg2[%dma_start3A_455, %dma_start3A_456] : memref<2600000x32xf32, #tpu.memory_space<hbm>> -> memref<2600000x32xf32, #tpu.memory_space<hbm>>
        tpu.enqueue_indirect_dma source(%dma_start3A_457 : memref<2600000x32xf32, #tpu.memory_space<hbm>>) target(%dma_start3A_451 : memref<128x32xf32, #tpu.memory_space<vmem>>) offsets(%dma_start3A_454 : memref<128xi32, #tpu.memory_space<vmem>>) semaphore(%arg8 : memref<!tpu.dma_semaphore, #tpu.memory_space<semaphore_mem>>)
        %mul3A_458 = arith.constant 13 : i32
        %mul3A_459 = arith.muli %add3A_366, %mul3A_458 : i32
        %add3A_460 = arith.constant 7 : i32
        %add3A_461 = arith.addi %mul3A_459, %add3A_460 : i32
        %dma_start3A_462 = arith.constant 896 : i32
        %dma_start3A_463 = arith.constant 0 : i32
        %dma_start3A_464 = tpu.memref_slice %arg6[%dma_start3A_462, %dma_start3A_463] : memref<1664x32xf32, #tpu.memory_space<vmem>> -> memref<128x32xf32, #tpu.memory_space<vmem>>
        %dma_start3A_465 = arith.constant 0 : i32
        %dma_start3A_466 = tpu.memref_slice %arg5[%add3A_461, %dma_start3A_465] : memref<104x128xi32, #tpu.memory_space<vmem>> -> memref<1x128xi32, #tpu.memory_space<vmem>>
        %dma_start3A_467 = tpu.memref_squeeze %dma_start3A_466 : memref<1x128xi32, #tpu.memory_space<vmem>> -> memref<128xi32, #tpu.memory_space<vmem>>
        %dma_start3A_468 = arith.constant 0 : i32
        %dma_start3A_469 = arith.constant 0 : i32
        %dma_start3A_470 = tpu.memref_slice %arg2[%dma_start3A_468, %dma_start3A_469] : memref<2600000x32xf32, #tpu.memory_space<hbm>> -> memref<2600000x32xf32, #tpu.memory_space<hbm>>
        tpu.enqueue_indirect_dma source(%dma_start3A_470 : memref<2600000x32xf32, #tpu.memory_space<hbm>>) target(%dma_start3A_464 : memref<128x32xf32, #tpu.memory_space<vmem>>) offsets(%dma_start3A_467 : memref<128xi32, #tpu.memory_space<vmem>>) semaphore(%arg8 : memref<!tpu.dma_semaphore, #tpu.memory_space<semaphore_mem>>)
        %mul3A_471 = arith.constant 13 : i32
        %mul3A_472 = arith.muli %add3A_366, %mul3A_471 : i32
        %add3A_473 = arith.constant 8 : i32
        %add3A_474 = arith.addi %mul3A_472, %add3A_473 : i32
        %dma_start3A_475 = arith.constant 1024 : i32
        %dma_start3A_476 = arith.constant 0 : i32
        %dma_start3A_477 = tpu.memref_slice %arg6[%dma_start3A_475, %dma_start3A_476] : memref<1664x32xf32, #tpu.memory_space<vmem>> -> memref<128x32xf32, #tpu.memory_space<vmem>>
        %dma_start3A_478 = arith.constant 0 : i32
        %dma_start3A_479 = tpu.memref_slice %arg5[%add3A_474, %dma_start3A_478] : memref<104x128xi32, #tpu.memory_space<vmem>> -> memref<1x128xi32, #tpu.memory_space<vmem>>
        %dma_start3A_480 = tpu.memref_squeeze %dma_start3A_479 : memref<1x128xi32, #tpu.memory_space<vmem>> -> memref<128xi32, #tpu.memory_space<vmem>>
        %dma_start3A_481 = arith.constant 0 : i32
        %dma_start3A_482 = arith.constant 0 : i32
        %dma_start3A_483 = tpu.memref_slice %arg2[%dma_start3A_481, %dma_start3A_482] : memref<2600000x32xf32, #tpu.memory_space<hbm>> -> memref<2600000x32xf32, #tpu.memory_space<hbm>>
        tpu.enqueue_indirect_dma source(%dma_start3A_483 : memref<2600000x32xf32, #tpu.memory_space<hbm>>) target(%dma_start3A_477 : memref<128x32xf32, #tpu.memory_space<vmem>>) offsets(%dma_start3A_480 : memref<128xi32, #tpu.memory_space<vmem>>) semaphore(%arg8 : memref<!tpu.dma_semaphore, #tpu.memory_space<semaphore_mem>>)
        %mul3A_484 = arith.constant 13 : i32
        %mul3A_485 = arith.muli %add3A_366, %mul3A_484 : i32
        %add3A_486 = arith.constant 9 : i32
        %add3A_487 = arith.addi %mul3A_485, %add3A_486 : i32
        %dma_start3A_488 = arith.constant 1152 : i32
        %dma_start3A_489 = arith.constant 0 : i32
        %dma_start3A_490 = tpu.memref_slice %arg6[%dma_start3A_488, %dma_start3A_489] : memref<1664x32xf32, #tpu.memory_space<vmem>> -> memref<128x32xf32, #tpu.memory_space<vmem>>
        %dma_start3A_491 = arith.constant 0 : i32
        %dma_start3A_492 = tpu.memref_slice %arg5[%add3A_487, %dma_start3A_491] : memref<104x128xi32, #tpu.memory_space<vmem>> -> memref<1x128xi32, #tpu.memory_space<vmem>>
        %dma_start3A_493 = tpu.memref_squeeze %dma_start3A_492 : memref<1x128xi32, #tpu.memory_space<vmem>> -> memref<128xi32, #tpu.memory_space<vmem>>
        %dma_start3A_494 = arith.constant 0 : i32
        %dma_start3A_495 = arith.constant 0 : i32
        %dma_start3A_496 = tpu.memref_slice %arg2[%dma_start3A_494, %dma_start3A_495] : memref<2600000x32xf32, #tpu.memory_space<hbm>> -> memref<2600000x32xf32, #tpu.memory_space<hbm>>
        tpu.enqueue_indirect_dma source(%dma_start3A_496 : memref<2600000x32xf32, #tpu.memory_space<hbm>>) target(%dma_start3A_490 : memref<128x32xf32, #tpu.memory_space<vmem>>) offsets(%dma_start3A_493 : memref<128xi32, #tpu.memory_space<vmem>>) semaphore(%arg8 : memref<!tpu.dma_semaphore, #tpu.memory_space<semaphore_mem>>)
        %mul3A_497 = arith.constant 13 : i32
        %mul3A_498 = arith.muli %add3A_366, %mul3A_497 : i32
        %add3A_499 = arith.constant 10 : i32
        %add3A_500 = arith.addi %mul3A_498, %add3A_499 : i32
        %dma_start3A_501 = arith.constant 1280 : i32
        %dma_start3A_502 = arith.constant 0 : i32
        %dma_start3A_503 = tpu.memref_slice %arg6[%dma_start3A_501, %dma_start3A_502] : memref<1664x32xf32, #tpu.memory_space<vmem>> -> memref<128x32xf32, #tpu.memory_space<vmem>>
        %dma_start3A_504 = arith.constant 0 : i32
        %dma_start3A_505 = tpu.memref_slice %arg5[%add3A_500, %dma_start3A_504] : memref<104x128xi32, #tpu.memory_space<vmem>> -> memref<1x128xi32, #tpu.memory_space<vmem>>
        %dma_start3A_506 = tpu.memref_squeeze %dma_start3A_505 : memref<1x128xi32, #tpu.memory_space<vmem>> -> memref<128xi32, #tpu.memory_space<vmem>>
        %dma_start3A_507 = arith.constant 0 : i32
        %dma_start3A_508 = arith.constant 0 : i32
        %dma_start3A_509 = tpu.memref_slice %arg2[%dma_start3A_507, %dma_start3A_508] : memref<2600000x32xf32, #tpu.memory_space<hbm>> -> memref<2600000x32xf32, #tpu.memory_space<hbm>>
        tpu.enqueue_indirect_dma source(%dma_start3A_509 : memref<2600000x32xf32, #tpu.memory_space<hbm>>) target(%dma_start3A_503 : memref<128x32xf32, #tpu.memory_space<vmem>>) offsets(%dma_start3A_506 : memref<128xi32, #tpu.memory_space<vmem>>) semaphore(%arg8 : memref<!tpu.dma_semaphore, #tpu.memory_space<semaphore_mem>>)
        %mul3A_510 = arith.constant 13 : i32
        %mul3A_511 = arith.muli %add3A_366, %mul3A_510 : i32
        %add3A_512 = arith.constant 11 : i32
        %add3A_513 = arith.addi %mul3A_511, %add3A_512 : i32
        %dma_start3A_514 = arith.constant 1408 : i32
        %dma_start3A_515 = arith.constant 0 : i32
        %dma_start3A_516 = tpu.memref_slice %arg6[%dma_start3A_514, %dma_start3A_515] : memref<1664x32xf32, #tpu.memory_space<vmem>> -> memref<128x32xf32, #tpu.memory_space<vmem>>
        %dma_start3A_517 = arith.constant 0 : i32
        %dma_start3A_518 = tpu.memref_slice %arg5[%add3A_513, %dma_start3A_517] : memref<104x128xi32, #tpu.memory_space<vmem>> -> memref<1x128xi32, #tpu.memory_space<vmem>>
        %dma_start3A_519 = tpu.memref_squeeze %dma_start3A_518 : memref<1x128xi32, #tpu.memory_space<vmem>> -> memref<128xi32, #tpu.memory_space<vmem>>
        %dma_start3A_520 = arith.constant 0 : i32
        %dma_start3A_521 = arith.constant 0 : i32
        %dma_start3A_522 = tpu.memref_slice %arg2[%dma_start3A_520, %dma_start3A_521] : memref<2600000x32xf32, #tpu.memory_space<hbm>> -> memref<2600000x32xf32, #tpu.memory_space<hbm>>
        tpu.enqueue_indirect_dma source(%dma_start3A_522 : memref<2600000x32xf32, #tpu.memory_space<hbm>>) target(%dma_start3A_516 : memref<128x32xf32, #tpu.memory_space<vmem>>) offsets(%dma_start3A_519 : memref<128xi32, #tpu.memory_space<vmem>>) semaphore(%arg8 : memref<!tpu.dma_semaphore, #tpu.memory_space<semaphore_mem>>)
        %mul3A_523 = arith.constant 13 : i32
        %mul3A_524 = arith.muli %add3A_366, %mul3A_523 : i32
        %add3A_525 = arith.constant 12 : i32
        %add3A_526 = arith.addi %mul3A_524, %add3A_525 : i32
        %dma_start3A_527 = arith.constant 1536 : i32
        %dma_start3A_528 = arith.constant 0 : i32
        %dma_start3A_529 = tpu.memref_slice %arg6[%dma_start3A_527, %dma_start3A_528] : memref<1664x32xf32, #tpu.memory_space<vmem>> -> memref<128x32xf32, #tpu.memory_space<vmem>>
        %dma_start3A_530 = arith.constant 0 : i32
        %dma_start3A_531 = tpu.memref_slice %arg5[%add3A_526, %dma_start3A_530] : memref<104x128xi32, #tpu.memory_space<vmem>> -> memref<1x128xi32, #tpu.memory_space<vmem>>
        %dma_start3A_532 = tpu.memref_squeeze %dma_start3A_531 : memref<1x128xi32, #tpu.memory_space<vmem>> -> memref<128xi32, #tpu.memory_space<vmem>>
        %dma_start3A_533 = arith.constant 0 : i32
        %dma_start3A_534 = arith.constant 0 : i32
        %dma_start3A_535 = tpu.memref_slice %arg2[%dma_start3A_533, %dma_start3A_534] : memref<2600000x32xf32, #tpu.memory_space<hbm>> -> memref<2600000x32xf32, #tpu.memory_space<hbm>>
        tpu.enqueue_indirect_dma source(%dma_start3A_535 : memref<2600000x32xf32, #tpu.memory_space<hbm>>) target(%dma_start3A_529 : memref<128x32xf32, #tpu.memory_space<vmem>>) offsets(%dma_start3A_532 : memref<128xi32, #tpu.memory_space<vmem>>) semaphore(%arg8 : memref<!tpu.dma_semaphore, #tpu.memory_space<semaphore_mem>>)
      } else {
      }
      %dma_wait3A_344 = arith.constant 0 : i32
      %dma_wait3A_345 = arith.constant 0 : i32
      %dma_wait3A_346 = tpu.memref_slice %arg4[%dma_wait3A_344, %dma_wait3A_345] : memref<425984x32xf32, #tpu.memory_space<hbm>> -> memref<1664x32xf32, #tpu.memory_space<hbm>>
      %dma_wait3A_347 = arith.constant 0 : i32
      %dma_wait3A_348 = arith.constant 0 : i32
      %dma_wait3A_349 = tpu.memref_slice %arg4[%dma_wait3A_347, %dma_wait3A_348] : memref<425984x32xf32, #tpu.memory_space<hbm>> -> memref<1664x32xf32, #tpu.memory_space<hbm>>
      tpu.wait_dma2 semaphore(%arg9 : memref<!tpu.dma_semaphore, #tpu.memory_space<semaphore_mem>>) src(%dma_wait3A_349 : memref<1664x32xf32, #tpu.memory_space<hbm>>) dst(%arg7 : memref<1664x32xf32, #tpu.memory_space<vmem>>)
      %add3A_350 = arith.constant 1 : i32
      %add3A_351 = arith.addi %mul3A_151, %add3A_350 : i32
      %mul3A_352 = arith.constant 1664 : i32
      %mul3A_353 = arith.muli %add3A_351, %mul3A_352 : i32
      %add3A_354 = arith.addi %mul3A_4, %mul3A_353 : i32
      %dma_start3A_355 = arith.constant 0 : i32
      %dma_start3A_356 = tpu.memref_slice %arg4[%add3A_354, %dma_start3A_355] : memref<425984x32xf32, #tpu.memory_space<hbm>> -> memref<1664x32xf32, #tpu.memory_space<hbm>>
      %dma_start3A_357 = arith.constant 0 : i32
      %dma_start3A_358 = tpu.memref_slice %arg4[%add3A_354, %dma_start3A_357] : memref<425984x32xf32, #tpu.memory_space<hbm>> -> memref<1664x32xf32, #tpu.memory_space<hbm>>
      tpu.enqueue_dma source(%arg7 : memref<1664x32xf32, #tpu.memory_space<vmem>>) target(%dma_start3A_358 : memref<1664x32xf32, #tpu.memory_space<hbm>>) target_semaphore(%arg11 : memref<!tpu.dma_semaphore, #tpu.memory_space<semaphore_mem>>)
    }
    %scan3A_137 = arith.constant 4 : i32
    %dma_wait3A = arith.constant 0 : i32
    %dma_wait3A_138 = arith.constant 0 : i32
    %dma_wait3A_139 = tpu.memref_slice %arg4[%dma_wait3A, %dma_wait3A_138] : memref<425984x32xf32, #tpu.memory_space<hbm>> -> memref<1664x32xf32, #tpu.memory_space<hbm>>
    %dma_wait3A_140 = arith.constant 0 : i32
    %dma_wait3A_141 = arith.constant 0 : i32
    %dma_wait3A_142 = tpu.memref_slice %arg4[%dma_wait3A_140, %dma_wait3A_141] : memref<425984x32xf32, #tpu.memory_space<hbm>> -> memref<1664x32xf32, #tpu.memory_space<hbm>>
    tpu.wait_dma2 semaphore(%arg10 : memref<!tpu.dma_semaphore, #tpu.memory_space<semaphore_mem>>) src(%dma_wait3A_142 : memref<1664x32xf32, #tpu.memory_space<hbm>>) dst(%arg6 : memref<1664x32xf32, #tpu.memory_space<vmem>>)
    %dma_wait3A_143 = arith.constant 0 : i32
    %dma_wait3A_144 = arith.constant 0 : i32
    %dma_wait3A_145 = tpu.memref_slice %arg4[%dma_wait3A_143, %dma_wait3A_144] : memref<425984x32xf32, #tpu.memory_space<hbm>> -> memref<1664x32xf32, #tpu.memory_space<hbm>>
    %dma_wait3A_146 = arith.constant 0 : i32
    %dma_wait3A_147 = arith.constant 0 : i32
    %dma_wait3A_148 = tpu.memref_slice %arg4[%dma_wait3A_146, %dma_wait3A_147] : memref<425984x32xf32, #tpu.memory_space<hbm>> -> memref<1664x32xf32, #tpu.memory_space<hbm>>
    tpu.wait_dma2 semaphore(%arg11 : memref<!tpu.dma_semaphore, #tpu.memory_space<semaphore_mem>>) src(%dma_wait3A_148 : memref<1664x32xf32, #tpu.memory_space<hbm>>) dst(%arg7 : memref<1664x32xf32, #tpu.memory_space<vmem>>)
    return
  }
}

</mosaic_0001>

<sc_bundles>
// kernel: kernel.3.cloned.1.call-start
scs
__scs_entry_jumppad:
0x0: {  	(pc) =	sbr.rel $0x88, $3  }
0x1: {  	(tag) =	ssettag $0x0;
	lr =	simm.s32 $0x1  }
0x2: {  	[smem:$0x3F9F] =	sst lr;
	_ =	strace $0xD0000000  }
0x3: {  	_ = 	snop  }
0x4: {  	_ = 	snop  }
0x5: {  	_ = 	snop  }
0x6: {  	_ = 	snop  }
0x7: {  	_ = 	snop  }
__scs_overlays_trampoline_lowered:
0x8: {  	[smem:$0x3FAE] =	sst s0  }
0x9: {  	[smem:$0x3FAF] =	sst s1  }
0xa: {  	[smem:$0x3FB0] =	sst s2  }
0xb: {  	[smem:$0x3FB1] =	sst s3  }
0xc: {  	[smem:$0x3FB2] =	sst s4  }
0xd: {  	[smem:$0x3FB3] =	sst s5  }
0xe: {  	[smem:$0x3FB4] =	sst s6  }
0xf: {  	[smem:$0x3FB5] =	sst s7  }
0x10: {  	[smem:$0x3FB6] =	sst s8  }
0x11: {  	[smem:$0x3FB7] =	sst s9;
	s0 =	simm.s32 @!p0 $0x0  }
0x12: {  	s1 =	sld [smem:$0x3F9D];
	s0 =	simm.s32 @p0 $0x1  }
0x13: {  	[smem:$0x3FB8] =	sst s0;
	s0 =	simm.s32 @!p1 $0x0  }
0x14: {  	s2 =	sld [smem:$0x3F9C];
	s0 =	simm.s32 @p1 $0x1  }
0x15: {  	[smem:$0x3FB9] =	sst s0;
	s0 =	simm.s32 @!p2 $0x0  }
0x16: {  	s3 =	sld [smem:$0x3FDB];
	s0 =	simm.s32 @p2 $0x1  }
0x17: {  	s4 =	simm.s32 $0x1BF5;
	[smem:$0x3FBB] =	sst s0  }
0x18: {  	s0 =	sld [smem:$0x3F9E];
	_ =	swait.ge [sflag:s4], $0x0  }
0x19: {  	s7 =	sld [smem:$0x3F9F]  }
0x1a: {  	s8 =	sadd.s32 $0xFFFFE003, lr  }
0x1b: {  	s9 =	sadd.s32 $0xFFFFFEF7, lr;
	s5 =	simm.s32 $0xFFFFFFFF;
	p2 =	slt.u32 s8, $0xFFFFF086  }
0x1c: {  	p1 =	slt.u32 s9, $0xF7A;
	s5 =	simm.s32 @!p2 $0x0  }
0x1d: {  	s5 =	simm.s32 @p1 $0x1;
	p0 =	seq.s32 s7, s2  }
0x1e: {  	s7 =	smul.u32 @!p0 $0xF7A, s2;
	p2 =	seq.s32 @!p0 s5, $0x0  }
0x1f: {  	s9 =	smul.u32 $0xF7A, s1;
	s8 =	simm.s32 @!p0 $0x1BF5;
	p2 =	por !p2, p0  }
0x20: {  	[sflag:s8] =	ssyncset.s32 @!p0 $0xFFFFF086;
	s6 =	sadd.s32 @!p0 s3, s7;
	s7 =	simm.s32 @!p0 $0x108  }
0x21: {  	s3 =	sadd.s32 s3, s9;
	s6 =	sadd.s32 @!p0 $0x88, s6;
	s7 =	simm.s32 @p2 $0x1082  }
0x22: {  	[simem:s7], [sflag:s8] =	dma.local @!p0 [hbm:s6], $0xF7A  }
0x23: {  	s9 =	sor.u32 $0xD0000000, s2;
	s6 =	simm.s32 $0x108;
	_ =	swait.ge @!p0 [sflag:s8], $0x0  }
0x24: {  	s3 =	sadd.s32 $0x88, s3;
	s6 =	simm.s32 @!p1 $0x1082;
	[sflag:s4] =	ssyncset.s32 $0xFFFFF086  }
0x25: {  	[simem:s6], [sflag:s4] =	dma.local [hbm:s3], $0xF7A  }
0x26: {  	[smem:$0x3F9F] =	sst s1;
	(tag) =	ssettag s2;
	_ =	strace s9  }
0x27: {  	s1 =	sld [smem:$0x3FAF]  }
0x28: {  	s2 =	sld [smem:$0x3FB0]  }
0x29: {  	s4 =	sld [smem:$0x3FB2]  }
0x2a: {  	p0 =	seq.s32 s5, $0x0;
	s5 =	sld [smem:$0x3FB3]  }
0x2b: {  	s6 =	sld [smem:$0x3FB4]  }
0x2c: {  	s7 =	sld [smem:$0x3FB5]  }
0x2d: {  	s3 =	simm.s32 $0x108;
	s8 =	sld [smem:$0x3FB6]  }
0x2e: {  	s3 =	simm.s32 @!p0 $0x1082;
	s9 =	sld [smem:$0x3FB7]  }
0x2f: {  	lr =	sadd.s32 s0, s3;
	s0 =	sld [smem:$0x3FAE]  }
0x30: {  	s3 =	sld [smem:$0x3FB1]  }
0x31: {  	[smem:$0x3FBA] =	sst s10  }
0x32: {  	s10 =	sld [smem:$0x3FB8];
	_ =	sdelay $0x3  }
0x33: {  	p0 =	seq.s32 s10, $0x1;
	s10 =	sld [smem:$0x3FBA];
	_ =	sdelay $0x3  }
0x34: {  	[smem:$0x3FBA] =	sst s10  }
0x35: {  	s10 =	sld [smem:$0x3FB9];
	_ =	sdelay $0x3  }
0x36: {  	p1 =	seq.s32 s10, $0x1;
	s10 =	sld [smem:$0x3FBA];
	_ =	sdelay $0x3  }
0x37: {  	[smem:$0x3FBA] =	sst s10  }
0x38: {  	s10 =	sld [smem:$0x3FBB]  }
0x39: {  	_ = 	snop;
	(pc) =	sbr.ind lr, $3  }
0x3a: {  	_ = 	snop  }
0x3b: {  	_ = 	snop  }
0x3c: {  	p2 =	seq.s32 s10, $0x1;
	s10 =	sld [smem:$0x3FBA]  }
0x3d: {  	_ =	shalt  }
0x3e: {  	_ =	shalt  }
0x3f: {  	_ =	shalt  }
0x40: {  	_ =	shalt  }
0x41: {  	_ =	shalt  }
0x42: {  	_ =	shalt  }
0x43: {  	_ =	shalt  }
0x44: {  	_ =	shalt  }
0x45: {  	_ =	shalt  }
0x46: {  	_ =	shalt  }
0x47: {  	_ =	shalt  }
0x48: {  	_ =	shalt  }
0x49: {  	_ =	shalt  }
0x4a: {  	_ =	shalt  }
0x4b: {  	_ =	shalt  }
0x4c: {  	_ =	shalt  }
0x4d: {  	_ =	shalt  }
0x4e: {  	_ =	shalt  }
0x4f: {  	_ =	shalt  }
0x50: {  	_ =	shalt  }
0x51: {  	_ =	shalt  }
0x52: {  	_ =	shalt  }
0x53: {  	_ =	shalt  }
0x54: {  	_ =	shalt  }
0x55: {  	_ =	shalt  }
0x56: {  	_ =	shalt  }
0x57: {  	_ =	shalt  }
0x58: {  	_ =	shalt  }
0x59: {  	_ =	shalt  }
0x5a: {  	_ =	shalt  }
0x5b: {  	_ =	shalt  }
0x5c: {  	_ =	shalt  }
0x5d: {  	_ =	shalt  }
0x5e: {  	_ =	shalt  }
0x5f: {  	_ =	shalt  }
0x60: {  	_ =	shalt  }
0x61: {  	_ =	shalt  }
0x62: {  	_ =	shalt  }
0x63: {  	_ =	shalt  }
0x64: {  	_ =	shalt  }
0x65: {  	_ =	shalt  }
0x66: {  	_ =	shalt  }
0x67: {  	_ =	shalt  }
0x68: {  	_ =	shalt  }
0x69: {  	_ =	shalt  }
0x6a: {  	_ =	shalt  }
0x6b: {  	_ =	shalt  }
0x6c: {  	_ =	shalt  }
0x6d: {  	_ =	shalt  }
0x6e: {  	_ =	shalt  }
0x6f: {  	_ =	shalt  }
0x70: {  	_ =	shalt  }
0x71: {  	_ =	shalt  }
0x72: {  	_ =	shalt  }
0x73: {  	_ =	shalt  }
0x74: {  	_ =	shalt  }
0x75: {  	_ =	shalt  }
0x76: {  	_ =	shalt  }
0x77: {  	_ =	shalt  }
0x78: {  	_ =	shalt  }
0x79: {  	_ =	shalt  }
0x7a: {  	_ =	shalt  }
0x7b: {  	_ =	shalt  }
0x7c: {  	_ =	shalt  }
0x7d: {  	_ =	shalt  }
0x7e: {  	_ =	shalt  }
0x7f: {  	_ =	shalt  }
0x80: {  	_ =	shalt  }
0x81: {  	_ =	shalt  }
0x82: {  	_ =	shalt  }
0x83: {  	_ =	shalt  }
0x84: {  	_ =	shalt  }
0x85: {  	_ =	shalt  }
0x86: {  	_ =	shalt  }
0x87: {  	_ =	shalt  }
.Lfunc_end0:
.L_simem_size_0:
called_computation.1_lowered:
.L_overlay_start_0:
0x88: {  	s2 =	sld [smem:$0x3FD9]  }
0x89: {  	s3 =	sld [smem:$0x3FFE];
	_ =	sdelay $0x1  }
0x8a: {  	s1 =	srdreg.scid  }
0x8b: {  	s0 =	sand.u32 $0x1, s1  }
0x8c: {  	s17 =	sshll.u32 s0, $0xA;
	s2 =	sadd.s32 s3, s2  }
0x8d: {  	s2 =	sadd.s32 s2, s17  }
0x8e: {  	[smem:$0x3FC6] =	sst s2  }
0x8f: {  	_ = 	snop  }
0x90: {  	s2 =	sld [smem:$0x3FD0];
	(tm) =	ssettm $0x1  }
0x91: {  	s18 =	sld [smem:$0x3FFB];
	_ =	sdelay $0x3  }
0x92: {  	_ =	strace s18  }
0x93: {  	s3 =	sld [smem:$0x3FFC];
	_ =	sdelay $0x3  }
0x94: {  	_ =	strace s3  }
0x95: {  	s3 =	sld [smem:$0x3FFD];
	_ =	sdelay $0x3  }
0x96: {  	_ =	strace s3  }
0x97: {  	_ =	strace $0x8FFFFFFF  }
0x98: {  	s19 =	sld [smem:$0x3FDB];
	_ =	sdelay $0x1  }
0x99: {  	s4 =	simm.s32 $_scs_section_size  }
0x9a: {  	s5 =	simm.s32 $_size__tile_overlayer_lowered;
	s6 =	simm.s32 $_tile_overlayer_lowered  }
0x9b: {  	s22 =	simm.s32 $0x1BFF;
	s21 =	sshll.u32 s6, $0x1;
	s3 =	sadd.s32 s4, s19  }
0x9c: {  	s7 =	simm.s32 $0x0;
	s20 =	sshll.u32 s5, $0x1;
	s5 =	sadd.s32 s21, s3  }
0x9d: {  	[timem:s7], [sflag:s22] =	dma.local [hbm:s5], s20  }
0x9e: {  	_ =	swait.ge [sflag:s22], s20  }
0x9f: {  	s4 =	ssub.s32 $0x0, s20;
	[sflag:s22] =	ssyncset.done $0x0  }
0xa0: {  	[sflag:s22] =	ssyncadd.s32 s4;
	_ =	sdelay $0x1  }
0xa1: {  	s23 =	simm.s32 $0x1B8B  }
0xa2: {  	_ =	swait.ge [sflag:s23], $0x1  }
0xa3: {  	[sflag:s23] =	ssyncset.done $0x0  }
0xa4: {  	s25 =	simm.s32 $0x1B8E;
	s24 =	sld [smem:$0x3FFE];
	[sflag:s23] =	ssyncadd.s32 $0xFFFFFFFF  }
0xa5: {  	s26 =	simm.s32 $execute0_lowered;
	[smem:$0x3FD2] =	sst s25  }
0xa6: {  	s5 =	sshll.u32 s26, $0x1;
	_ =	strace $0x80000046;
	[dreg:$0x1] =	wrdreg $0xFFFFFFFF  }
0xa7: {  	s28 =	simm.s32 $_size_execute0_lowered;
	s3 =	sadd.s32 s3, s5;
	[dreg:$0x0] =	wrdreg $0x0  }
0xa8: {  	s5 =	sshll.u32 s28, $0x1;
	[dreg:$0x2] =	wrdreg s3  }
0xa9: {  	[dreg:$0x3] =	wrdreg s5  }
0xaa: {  	[dreg:$0x4] =	wrdreg $0xC0  }
0xab: {  	_ =	task [dreg:s7], $0x5FFFF  }
0xac: {  	[dreg:$0x1] =	wrdreg $0xFFFFFFFF  }
0xad: {  	[dreg:$0x0] =	wrdreg $0x60  }
0xae: {  	[dreg:$0x2] =	wrdreg s24  }
0xaf: {  	[dreg:$0x3] =	wrdreg s2  }
0xb0: {  	[dreg:$0x4] =	wrdreg $0x9  }
0xb1: {  	_ =	task.clear_ibuf [dreg:s7], $0x5FFFF;
	_ =	strace $0x90000046  }
0xb2: {  	s29 =	simm.s32 $0x9;
	_ =	strace $0x80000048  }
0xb3: {  	_ =	swait.ge [sflag:s29], $0x1  }
0xb4: {  	[sflag:s29] =	ssyncadd.s32 $0xFFFFFFFF  }
0xb5: {  	_ =	strace $0x90000048  }
0xb6: {  	_ =	sfence  }
0xb7: {  	s30 =	sld [smem:$0x0];
	_ =	sdelay $0x2  }
0xb8: {  	s31 =	sshll.u32 s1, $0xD;
	s1 =	sshrl.u32 s1, $0x2  }
0xb9: {  	s3 =	sand.u32 $0x4000, s31;
	s1 =	sadd.s32 s1, s30  }
0xba: {  	s0 =	sor.u32 s3, s0;
	s1 =	sshll.u32 s1, $0x11  }
0xbb: {  	s0 =	sor.u32 s1, s0  }
0xbc: {  	s0 =	sadd.s32 $0x8F2B, s0  }
0xbd: {  	[sflag:s0] =	ssyncadd.remote.s32 $0x1  }
0xbe: {  	_ =	sfence.sel $0xFFFF  }
0xbf: {  	[dreg:$0x0] =	wrdreg $0xFFFFFFFF;
	(pc) =	sbr.abs _section_cstart, $3  }
0xc0: {  	[dreg:$0x1] =	wrdreg $0xFFFFFFFF  }
0xc1: {  	_ =	task.clear_ibuf [dreg:s7], $0x2FFFF;
	_ =	strace $0x9FFFFFFF  }
0xc2: {  	(tm) =	ssettm $0x7FFFFFFF  }
0xc3: {  	_ =	shalt  }
tec
execute0_lowered:
.L_overlay_start_1:
0x0: {  	(tag) =	ssettag $0x1  }
0x1: {  	s0 =	srdreg.scid;
	s1 =	stileid.u32  }
0x2: {  	s4 =	rddreg [dreg:$0x1];
	s0 =	sand.u32 $0x1, s0;
	s2 =	sshll.u32 s1, $0x1  }
0x3: {  	s1 =	rddreg [dreg:$0x0];
	s3 =	sor.u32 s0, s2;
	s2 =	simm.s32 $0x0  }
0x4: {  	s8 =	simm.s32 $0x100;
	[smem:$0x7FF] =	sst s2  }
0x5: {  	s9 =	simm.s32 $0x180;
	_ =	strace $0x80000047;
	[dreg:$0xb] =	wrdreg s8  }
0x6: {  	s10 =	simm.s32 $0x200;
	[dreg:$0xc] =	wrdreg s9  }
0x7: {  	s11 =	simm.s32 $0x280;
	[dreg:$0xd] =	wrdreg s10  }
0x8: {  	s12 =	simm.s32 $0x300;
	[dreg:$0xe] =	wrdreg s11  }
0x9: {  	s13 =	simm.s32 $0x380;
	[dreg:$0xf] =	wrdreg s12  }
0xa: {  	s14 =	simm.s32 $0x400;
	[dreg:$0x10] =	wrdreg s13  }
0xb: {  	s15 =	simm.s32 $0x480;
	[dreg:$0x11] =	wrdreg s14  }
0xc: {  	s16 =	simm.s32 $0x500;
	[dreg:$0x12] =	wrdreg s15  }
0xd: {  	s17 =	simm.s32 $0x580;
	[dreg:$0x13] =	wrdreg s16  }
0xe: {  	s18 =	simm.s32 $0x600;
	[dreg:$0x14] =	wrdreg s17  }
0xf: {  	s19 =	simm.s32 $0x680;
	[dreg:$0x15] =	wrdreg s18  }
0x10: {  	s20 =	simm.s32 $0x700;
	[dreg:$0x16] =	wrdreg s19  }
0x11: {  	s21 =	simm.s32 $0x780;
	[dreg:$0x17] =	wrdreg s20  }
0x12: {  	s22 =	simm.s32 $0x800;
	[dreg:$0x18] =	wrdreg s21  }
0x13: {  	s23 =	simm.s32 $0x880;
	[dreg:$0x19] =	wrdreg s22  }
0x14: {  	[dreg:$0x1a] =	wrdreg s23;
	s8 =	simm.s32 $0xC80  }
0x15: {  	s9 =	simm.s32 $0xD00;
	[smem:$0x7AF] =	sst s8  }
0x16: {  	s10 =	simm.s32 $0xD80;
	[smem:$0x7B0] =	sst s9  }
0x17: {  	s11 =	simm.s32 $0xE00;
	[smem:$0x7B1] =	sst s10  }
0x18: {  	s12 =	simm.s32 $0xE80;
	[smem:$0x7B2] =	sst s11  }
0x19: {  	s13 =	simm.s32 $0xF00;
	[smem:$0x7B3] =	sst s12  }
0x1a: {  	s14 =	simm.s32 $0xF80;
	[smem:$0x7B4] =	sst s13  }
0x1b: {  	s15 =	simm.s32 $0x1000;
	[smem:$0x7B5] =	sst s14  }
0x1c: {  	s16 =	simm.s32 $0x1080;
	[smem:$0x7B6] =	sst s15  }
0x1d: {  	s17 =	simm.s32 $0x1100;
	[smem:$0x7B7] =	sst s16  }
0x1e: {  	s18 =	simm.s32 $0x1180;
	[smem:$0x7B8] =	sst s17  }
0x1f: {  	s19 =	simm.s32 $0x1200;
	[smem:$0x7B9] =	sst s18  }
0x20: {  	s20 =	simm.s32 $0x1280;
	[smem:$0x7BA] =	sst s19  }
0x21: {  	s5 =	smul.u32 $0x680, s3;
	s21 =	simm.s32 $0x1300;
	[smem:$0x7BB] =	sst s20  }
0x22: {  	s3 =	smul.u32 $0xD000, s3;
	s22 =	simm.s32 $0x1380;
	[smem:$0x7BC] =	sst s21  }
0x23: {  	s23 =	simm.s32 $0x1400;
	[smem:$0x7BD] =	sst s22  }
0x24: {  	s4 =	sadd.s32 s4, s3;
	[smem:$0x7BE] =	sst s23  }
0x25: {  	s8 =	simm.s32 $0x1800;
	[smem:$0x7AC] =	sst s4  }
0x26: {  	s9 =	simm.s32 $0x1880;
	[smem:$0x7C6] =	sst s8  }
0x27: {  	s10 =	simm.s32 $0x1900;
	[smem:$0x7C7] =	sst s9  }
0x28: {  	s11 =	simm.s32 $0x1980;
	[smem:$0x7C8] =	sst s10  }
0x29: {  	s12 =	simm.s32 $0x1A00;
	[smem:$0x7C9] =	sst s11  }
0x2a: {  	s13 =	simm.s32 $0x1A80;
	[smem:$0x7CA] =	sst s12  }
0x2b: {  	s14 =	simm.s32 $0x1B00;
	[smem:$0x7CB] =	sst s13  }
0x2c: {  	s15 =	simm.s32 $0x1B80;
	[smem:$0x7CC] =	sst s14  }
0x2d: {  	s16 =	simm.s32 $0x1C00;
	[smem:$0x7CD] =	sst s15  }
0x2e: {  	s17 =	simm.s32 $0x1C80;
	[smem:$0x7CE] =	sst s16  }
0x2f: {  	s18 =	simm.s32 $0x1D00;
	[smem:$0x7CF] =	sst s17  }
0x30: {  	s19 =	simm.s32 $0x1D80;
	[smem:$0x7D0] =	sst s18  }
0x31: {  	s20 =	simm.s32 $0x1E00;
	[smem:$0x7D1] =	sst s19  }
0x32: {  	s21 =	simm.s32 $0x1E80;
	[smem:$0x7D2] =	sst s20  }
0x33: {  	s22 =	simm.s32 $0x1F00;
	[smem:$0x7D3] =	sst s21  }
0x34: {  	s5 =	sadd.s32 s5, s1;
	s23 =	simm.s32 $0x1F80;
	[smem:$0x7D4] =	sst s22  }
0x35: {  	s5 =	sadd.s32 $0xC00, s5;
	[smem:$0x7D5] =	sst s23  }
0x36: {  	s3 =	sadd.s32 $0x1A00, s4;
	[dreg:$0x3] =	wrdreg s5  }
0x37: {  	s24 =	sadd.s32 $0x3400, s4;
	[dreg:$0x4] =	wrdreg s3  }
0x38: {  	s25 =	sadd.s32 $0x4E00, s4;
	[dreg:$0x5] =	wrdreg s24  }
0x39: {  	s26 =	sadd.s32 $0x6800, s4;
	[dreg:$0x6] =	wrdreg s25  }
0x3a: {  	s6 =	sadd.s32 $0x9C00, s4;
	[dreg:$0x7] =	wrdreg s26  }
0x3b: {  	s7 =	sadd.s32 $0xB600, s4;
	[dreg:$0x9] =	wrdreg s6  }
0x3c: {  	s8 =	simm.s32 $0x2380;
	[dreg:$0xa] =	wrdreg s7  }
0x3d: {  	s9 =	simm.s32 $0x2400;
	[smem:$0x7DD] =	sst s8  }
0x3e: {  	s10 =	simm.s32 $0x2480;
	[smem:$0x7DE] =	sst s9  }
0x3f: {  	s11 =	simm.s32 $0x2500;
	[smem:$0x7DF] =	sst s10  }
0x40: {  	s12 =	simm.s32 $0x2580;
	[smem:$0x7E0] =	sst s11  }
0x41: {  	s13 =	simm.s32 $0x2600;
	[smem:$0x7E1] =	sst s12  }
0x42: {  	s14 =	simm.s32 $0x2680;
	[smem:$0x7E2] =	sst s13  }
0x43: {  	s15 =	simm.s32 $0x2700;
	[smem:$0x7E3] =	sst s14  }
0x44: {  	s16 =	simm.s32 $0x2780;
	[smem:$0x7E4] =	sst s15  }
0x45: {  	s17 =	simm.s32 $0x2800;
	[smem:$0x7E5] =	sst s16  }
0x46: {  	s18 =	simm.s32 $0x2880;
	[smem:$0x7E6] =	sst s17  }
0x47: {  	s20 =	simm.s32 $0x2900;
	[smem:$0x7E7] =	sst s18  }
0x48: {  	s21 =	simm.s32 $0x2980;
	[smem:$0x7E8] =	sst s20  }
0x49: {  	s22 =	simm.s32 $0x2A00;
	[smem:$0x7E9] =	sst s21  }
0x4a: {  	s23 =	simm.s32 $0x2A80;
	[smem:$0x7EA] =	sst s22  }
0x4b: {  	s5 =	sadd.s32 $0x8200, s4;
	[smem:$0x7EB] =	sst s23  }
0x4c: {  	s24 =	simm.s32 $0x900;
	[dreg:$0x8] =	wrdreg s5  }
0x4d: {  	s25 =	simm.s32 $0x980;
	[dreg:$0x1b] =	wrdreg s24  }
0x4e: {  	s26 =	simm.s32 $0xA00;
	[dreg:$0x1c] =	wrdreg s25  }
0x4f: {  	s4 =	simm.s32 $0xA80;
	[dreg:$0x1d] =	wrdreg s26  }
0x50: {  	s6 =	simm.s32 $0xB80;
	[dreg:$0x1e] =	wrdreg s4  }
0x51: {  	s7 =	simm.s32 $0xC00;
	[smem:$0x7AD] =	sst s6  }
0x52: {  	s8 =	simm.s32 $0x2D80;
	[smem:$0x7AE] =	sst s7  }
0x53: {  	s9 =	simm.s32 $0x2E00;
	[smem:$0x7F1] =	sst s8  }
0x54: {  	s10 =	simm.s32 $0x2E80;
	[smem:$0x7F2] =	sst s9  }
0x55: {  	s12 =	simm.s32 $0x2F00;
	[smem:$0x7F3] =	sst s10  }
0x56: {  	s14 =	simm.s32 $0x2F80;
	[smem:$0x7F4] =	sst s12  }
0x57: {  	s15 =	simm.s32 $0x3000;
	[smem:$0x7F5] =	sst s14  }
0x58: {  	s16 =	simm.s32 $0x3100;
	[smem:$0x7F6] =	sst s15  }
0x59: {  	s17 =	simm.s32 $0x3180;
	[smem:$0x7F8] =	sst s16  }
0x5a: {  	s18 =	simm.s32 $0x3200;
	[smem:$0x7F9] =	sst s17  }
0x5b: {  	s29 =	simm.s32 $0xB400;
	s20 =	simm.s32 $0x3280;
	[smem:$0x7FA] =	sst s18  }
0x5c: {  	s31 =	simm.s32 $0xC400;
	s21 =	simm.s32 $0x3300;
	[smem:$0x7FB] =	sst s20  }
0x5d: {  	s30 =	simm.s32 $0x10400;
	s23 =	simm.s32 $0x3380;
	[smem:$0x7FC] =	sst s21  }
0x5e: {  	p0 =	por $0x0, $0x0;
	s28 =	simm.s32 $0x1A400;
	[smem:$0x7FD] =	sst s23  }
0x5f: {  	s0 =	ssub.s32 $0x2, s0;
	s5 =	simm.s32 $0xB00;
	s15 =	rddreg [dreg:$0x3]  }
0x60: {  	s19 =	sshrl.u32 s0, $0x1;
	s24 =	simm.s32 $0x1480;
	[dreg:$0x1f] =	wrdreg s5  }
0x61: {  	s3 =	sadd.s32 $0x27AD000, s1;
	s25 =	simm.s32 $0x1500;
	[smem:$0x7BF] =	sst s24  }
0x62: {  	s0 =	ssub.s32 s0, s19;
	s26 =	simm.s32 $0x1580;
	[smem:$0x7C0] =	sst s25  }
0x63: {  	s13 =	simm.s32 $0x4400;
	s4 =	simm.s32 $0x1600;
	[smem:$0x7C1] =	sst s26  }
0x64: {  	s19 =	simm.s32 $0x7400;
	s6 =	simm.s32 $0x1700;
	[smem:$0x7C2] =	sst s4  }
0x65: {  	s22 =	simm.s32 $0x8400;
	s7 =	simm.s32 $0x1780;
	[smem:$0x7C4] =	sst s6  }
0x66: {  	s11 =	simm.s32 $0x9400;
	s5 =	simm.s32 $0x1680;
	[smem:$0x7C5] =	sst s7  }
0x67: {  	s1 =	smax.u32 s0, $0x1;
	s24 =	simm.s32 $0x2000;
	[smem:$0x7C3] =	sst s5  }
0x68: {  	s12 =	simm.s32 $0xE400;
	s25 =	simm.s32 $0x2080;
	[smem:$0x7D6] =	sst s24  }
0x69: {  	s23 =	simm.s32 $0x17400;
	s26 =	simm.s32 $0x2100;
	[smem:$0x7D7] =	sst s25  }
0x6a: {  	s0 =	simm.s32 $0x18400;
	s4 =	simm.s32 $0x2180;
	[smem:$0x7D8] =	sst s26  }
0x6b: {  	s14 =	simm.s32 $0x1;
	s6 =	simm.s32 $0x2280;
	[smem:$0x7D9] =	sst s4  }
0x6c: {  	s9 =	simm.s32 $0x3;
	s7 =	simm.s32 $0x2300;
	[smem:$0x7DB] =	sst s6  }
0x6d: {  	s10 =	simm.s32 $0x2;
	s5 =	simm.s32 $0x2200;
	[smem:$0x7DC] =	sst s7  }
0x6e: {  	s8 =	simm.s32 $0x4;
	s24 =	simm.s32 $0x2B00;
	[smem:$0x7DA] =	sst s5  }
0x6f: {  	p1 =	sne.s32 s1, $0x1;
	s25 =	simm.s32 $0x2B80;
	[smem:$0x7EC] =	sst s24  }
0x70: {  	s21 =	sadd.s32 $0xFFFFFFFF, s1;
	s26 =	simm.s32 $0x2C00;
	[smem:$0x7ED] =	sst s25  }
.Ltmp0:
0x71: {  	s4 =	simm.s32 $0x2C80;
	[smem:$0x7EE] =	sst s26;
	(pc) =	sbr.rel @!p1 .LBB2_1-.Ltmp0, $4  }
0x72: {  	s1 =	simm.s32 $0x19400;
	s6 =	simm.s32 $0x2D00;
	[smem:$0x7EF] =	sst s4  }
0x73: {  	s7 =	simm.s32 $0x3400;
	s5 =	simm.s32 $0x80;
	[smem:$0x7F0] =	sst s6  }
0x74: {  	s25 =	simm.s32 $0xA400;
	s6 =	simm.s32 $0x3080;
	s24 =	simm.s32 $0x11400  }
0x75: {  	s26 =	simm.s32 $0x12400;
	[smem:$0x7F7] =	sst s6;
	s6 =	simm.s32 $0x14400  }
0x76: {  	[tilespmem:s2], [sflag:$0x5] =	stream.linear.gather [hbm4b:s15+s2], $0x3400, $0x38;
	[tilespmem:$0x1D400] =	vst v63  }
0x77: {  	s17 =	simm.s32 $0x5  }
0x78: {  	_ =	swait.ge [sflag:s17], $0x3400  }
0x79: {  	[sflag:s17] =	ssyncset.done $0x0  }
0x7a: {  	[sflag:s17] =	ssyncadd.s32 $0xFFFFCC00  }
0x7b: {  	[tilespmem:s7], [sflag:$0x1] =	stream.indirect.gather [hbm4b:s3+s5], $0x20, s2, s5, $0xb8;
	[tilespmem:$0x1D400] =	vst v63  }
0x7c: {  	s15 =	rddreg [dreg:$0xb]  }
0x7d: {  	[tilespmem:s13], [sflag:$0x1] =	stream.indirect.gather [hbm4b:s3+s5], $0x20, s5, s5, $0xb8;
	[tilespmem:$0x1D400] =	vst v63  }
0x7e: {  	s18 =	simm.s32 $0x5400;
	s13 =	rddreg [dreg:$0xc]  }
0x7f: {  	[tilespmem:s18], [sflag:$0x1] =	stream.indirect.gather [hbm4b:s3+s5], $0x20, s15, s5, $0xb8;
	[tilespmem:$0x1D400] =	vst v63  }
0x80: {  	s15 =	rddreg [dreg:$0xd];
	s18 =	simm.s32 $0x6400  }
0x81: {  	[tilespmem:s18], [sflag:$0x1] =	stream.indirect.gather [hbm4b:s3+s5], $0x20, s13, s5, $0xb8;
	[tilespmem:$0x1D400] =	vst v63  }
0x82: {  	s18 =	rddreg [dreg:$0xe]  }
0x83: {  	[tilespmem:s19], [sflag:$0x1] =	stream.indirect.gather [hbm4b:s3+s5], $0x20, s15, s5, $0xb8;
	[tilespmem:$0x1D400] =	vst v63  }
0x84: {  	s13 =	rddreg [dreg:$0x14]  }
0x85: {  	[tilespmem:s22], [sflag:$0x1] =	stream.indirect.gather [hbm4b:s3+s5], $0x20, s18, s5, $0xb8;
	[tilespmem:$0x1D400] =	vst v63  }
0x86: {  	s19 =	rddreg [dreg:$0xf]  }
0x87: {  	[tilespmem:s11], [sflag:$0x1] =	stream.indirect.gather [hbm4b:s3+s5], $0x20, s19, s5, $0xb8;
	[tilespmem:$0x1D400] =	vst v63  }
0x88: {  	s18 =	rddreg [dreg:$0x10]  }
0x89: {  	[tilespmem:s25], [sflag:$0x1] =	stream.indirect.gather [hbm4b:s3+s5], $0x20, s18, s5, $0xb8;
	[tilespmem:$0x1D400] =	vst v63  }
0x8a: {  	s19 =	rddreg [dreg:$0x11]  }
0x8b: {  	[tilespmem:s29], [sflag:$0x1] =	stream.indirect.gather [hbm4b:s3+s5], $0x20, s19, s5, $0xb8;
	[tilespmem:$0x1D400] =	vst v63  }
0x8c: {  	s22 =	rddreg [dreg:$0x12]  }
0x8d: {  	[tilespmem:s31], [sflag:$0x1] =	stream.indirect.gather [hbm4b:s3+s5], $0x20, s22, s5, $0xb8;
	[tilespmem:$0x1D400] =	vst v63  }
0x8e: {  	s15 =	rddreg [dreg:$0x13];
	s11 =	simm.s32 $0xD400  }
0x8f: {  	[tilespmem:s11], [sflag:$0x1] =	stream.indirect.gather [hbm4b:s3+s5], $0x20, s15, s5, $0xb8;
	[tilespmem:$0x1D400] =	vst v63  }
0x90: {  	s15 =	rddreg [dreg:$0x15]  }
0x91: {  	[tilespmem:s12], [sflag:$0x1] =	stream.indirect.gather [hbm4b:s3+s5], $0x20, s13, s5, $0xb8;
	[tilespmem:$0x1D400] =	vst v63  }
0x92: {  	s11 =	simm.s32 $0xF400;
	s13 =	rddreg [dreg:$0x16]  }
0x93: {  	[tilespmem:s11], [sflag:$0x1] =	stream.indirect.gather [hbm4b:s3+s5], $0x20, s15, s5, $0xb8;
	[tilespmem:$0x1D400] =	vst v63  }
0x94: {  	s15 =	rddreg [dreg:$0x17]  }
0x95: {  	[tilespmem:s30], [sflag:$0x2] =	stream.indirect.gather [hbm4b:s3+s5], $0x20, s13, s5, $0xb8;
	[tilespmem:$0x1D400] =	vst v63  }
0x96: {  	s11 =	rddreg [dreg:$0x18]  }
0x97: {  	[tilespmem:s24], [sflag:$0x2] =	stream.indirect.gather [hbm4b:s3+s5], $0x20, s15, s5, $0xb8;
	[tilespmem:$0x1D400] =	vst v63  }
0x98: {  	s13 =	rddreg [dreg:$0x1a]  }
0x99: {  	[tilespmem:s26], [sflag:$0x2] =	stream.indirect.gather [hbm4b:s3+s5], $0x20, s11, s5, $0xb8;
	[tilespmem:$0x1D400] =	vst v63  }
0x9a: {  	s15 =	rddreg [dreg:$0x19];
	s24 =	simm.s32 $0x13400  }
0x9b: {  	[tilespmem:s24], [sflag:$0x2] =	stream.indirect.gather [hbm4b:s3+s5], $0x20, s15, s5, $0xb8;
	[tilespmem:$0x1D400] =	vst v63  }
0x9c: {  	s15 =	rddreg [dreg:$0x1b]  }
0x9d: {  	[tilespmem:s6], [sflag:$0x2] =	stream.indirect.gather [hbm4b:s3+s5], $0x20, s13, s5, $0xb8;
	[tilespmem:$0x1D400] =	vst v63  }
0x9e: {  	s20 =	simm.s32 $0x15400;
	s13 =	rddreg [dreg:$0x1c]  }
0x9f: {  	[tilespmem:s20], [sflag:$0x2] =	stream.indirect.gather [hbm4b:s3+s5], $0x20, s15, s5, $0xb8;
	[tilespmem:$0x1D400] =	vst v63  }
0xa0: {  	s4 =	simm.s32 $0x16400;
	s20 =	rddreg [dreg:$0x1d]  }
0xa1: {  	[tilespmem:s4], [sflag:$0x2] =	stream.indirect.gather [hbm4b:s3+s5], $0x20, s13, s5, $0xb8;
	[tilespmem:$0x1D400] =	vst v63  }
0xa2: {  	s13 =	rddreg [dreg:$0x1e]  }
0xa3: {  	[tilespmem:s23], [sflag:$0x2] =	stream.indirect.gather [hbm4b:s3+s5], $0x20, s20, s5, $0xb8;
	[tilespmem:$0x1D400] =	vst v63  }
0xa4: {  	s20 =	rddreg [dreg:$0x1f]  }
0xa5: {  	[tilespmem:s0], [sflag:$0x2] =	stream.indirect.gather [hbm4b:s3+s5], $0x20, s13, s5, $0xb8;
	[tilespmem:$0x1D400] =	vst v63  }
0xa6: {  	s13 =	sld [smem:$0x7AD]  }
0xa7: {  	[tilespmem:s1], [sflag:$0x2] =	stream.indirect.gather [hbm4b:s3+s5], $0x20, s20, s5, $0xb8;
	[tilespmem:$0x1D400] =	vst v63  }
0xa8: {  	s20 =	sld [smem:$0x7AE]  }
0xa9: {  	[tilespmem:s28], [sflag:$0x2] =	stream.indirect.gather [hbm4b:s3+s5], $0x20, s13, s5, $0xb8;
	[tilespmem:$0x1D400] =	vst v63  }
0xaa: {  	s16 =	simm.s32 $0x1B400;
	s13 =	sld [smem:$0x7AF]  }
0xab: {  	[tilespmem:s16], [sflag:$0x2] =	stream.indirect.gather [hbm4b:s3+s5], $0x20, s20, s5, $0xb8;
	[tilespmem:$0x1D400] =	vst v63  }
0xac: {  	[smem:$0x7AB] =	sst s21;
	s17 =	simm.s32 $0x1C400  }
0xad: {  	[tilespmem:s17], [sflag:$0x2] =	stream.indirect.gather [hbm4b:s3+s5], $0x20, s13, s5, $0xb8;
	[tilespmem:$0x1D400] =	vst v63  }
0xae: {  	_ =	swait.ge [sflag:s14], $0xD000  }
0xaf: {  	s15 =	sld [smem:$0x7AC]  }
0xb0: {  	[sflag:s14] =	ssyncset.done $0x0  }
0xb1: {  	[sflag:s14] =	ssyncadd.s32 $0xFFFF3000  }
0xb2: {  	[hbm4b:s15+s2] =	stream.linear.scatter [tilespmem:s7], [sflag:$0x3], $0xD000, $0x38;
	[tilespmem:$0x1D400] =	vst v63  }
0xb3: {  	_ =	swait.ge [sflag:s9], $0xD000  }
0xb4: {  	s16 =	sld [smem:$0x7B0]  }
0xb5: {  	[sflag:s9] =	ssyncset.done $0x0  }
0xb6: {  	s15 =	sld [smem:$0x7B1];
	[sflag:s9] =	ssyncadd.s32 $0xFFFF3000  }
0xb7: {  	[tilespmem:s7], [sflag:$0x1] =	stream.indirect.gather [hbm4b:s3+s5], $0x20, s16, s5, $0xb8;
	[tilespmem:$0x1D400] =	vst v63  }
0xb8: {  	s17 =	sld [smem:$0x7B2];
	s16 =	simm.s32 $0x4400  }
0xb9: {  	[tilespmem:s16], [sflag:$0x1] =	stream.indirect.gather [hbm4b:s3+s5], $0x20, s15, s5, $0xb8;
	[tilespmem:$0x1D400] =	vst v63  }
0xba: {  	s18 =	simm.s32 $0x5400;
	s15 =	sld [smem:$0x7B3]  }
0xbb: {  	[tilespmem:s18], [sflag:$0x1] =	stream.indirect.gather [hbm4b:s3+s5], $0x20, s17, s5, $0xb8;
	[tilespmem:$0x1D400] =	vst v63  }
0xbc: {  	s13 =	sld [smem:$0x7B4];
	s17 =	simm.s32 $0x6400  }
0xbd: {  	[tilespmem:s17], [sflag:$0x1] =	stream.indirect.gather [hbm4b:s3+s5], $0x20, s15, s5, $0xb8;
	[tilespmem:$0x1D400] =	vst v63  }
0xbe: {  	s11 =	simm.s32 $0x7400;
	s18 =	sld [smem:$0x7B5]  }
0xbf: {  	[tilespmem:s11], [sflag:$0x1] =	stream.indirect.gather [hbm4b:s3+s5], $0x20, s13, s5, $0xb8;
	[tilespmem:$0x1D400] =	vst v63  }
0xc0: {  	s19 =	simm.s32 $0x8400;
	s11 =	sld [smem:$0x7B6]  }
0xc1: {  	[tilespmem:s19], [sflag:$0x1] =	stream.indirect.gather [hbm4b:s3+s5], $0x20, s18, s5, $0xb8;
	[tilespmem:$0x1D400] =	vst v63  }
0xc2: {  	s22 =	simm.s32 $0x9400;
	s18 =	sld [smem:$0x7B7]  }
0xc3: {  	[tilespmem:s22], [sflag:$0x1] =	stream.indirect.gather [hbm4b:s3+s5], $0x20, s11, s5, $0xb8;
	[tilespmem:$0x1D400] =	vst v63  }
0xc4: {  	s19 =	sld [smem:$0x7B8]  }
0xc5: {  	[tilespmem:s25], [sflag:$0x1] =	stream.indirect.gather [hbm4b:s3+s5], $0x20, s18, s5, $0xb8;
	[tilespmem:$0x1D400] =	vst v63  }
0xc6: {  	s22 =	sld [smem:$0x7B9]  }
0xc7: {  	[tilespmem:s29], [sflag:$0x1] =	stream.indirect.gather [hbm4b:s3+s5], $0x20, s19, s5, $0xb8;
	[tilespmem:$0x1D400] =	vst v63  }
0xc8: {  	s11 =	sld [smem:$0x7BA]  }
0xc9: {  	[tilespmem:s31], [sflag:$0x1] =	stream.indirect.gather [hbm4b:s3+s5], $0x20, s22, s5, $0xb8;
	[tilespmem:$0x1D400] =	vst v63  }
0xca: {  	s21 =	simm.s32 $0xD400;
	s18 =	sld [smem:$0x7BB]  }
0xcb: {  	[tilespmem:s21], [sflag:$0x1] =	stream.indirect.gather [hbm4b:s3+s5], $0x20, s11, s5, $0xb8;
	[tilespmem:$0x1D400] =	vst v63  }
0xcc: {  	s12 =	simm.s32 $0xE400;
	s19 =	sld [smem:$0x7BC]  }
0xcd: {  	[tilespmem:s12], [sflag:$0x1] =	stream.indirect.gather [hbm4b:s3+s5], $0x20, s18, s5, $0xb8;
	[tilespmem:$0x1D400] =	vst v63  }
0xce: {  	s22 =	simm.s32 $0xF400  }
0xcf: {  	[tilespmem:s22], [sflag:$0x1] =	stream.indirect.gather [hbm4b:s3+s5], $0x20, s19, s5, $0xb8;
	[tilespmem:$0x1D400] =	vst v63  }
0xd0: {  	_ =	swait.ge [sflag:s10], $0xD000  }
0xd1: {  	[sflag:s10] =	ssyncset.done $0x0  }
0xd2: {  	s21 =	rddreg [dreg:$0x4];
	[sflag:s10] =	ssyncadd.s32 $0xFFFF3000  }
0xd3: {  	[hbm4b:s21+s2] =	stream.linear.scatter [tilespmem:s30], [sflag:$0x4], $0xD000, $0x38;
	[tilespmem:$0x1D400] =	vst v63  }
0xd4: {  	_ =	swait.ge [sflag:s8], $0xD000  }
0xd5: {  	s11 =	sld [smem:$0x7BD]  }
0xd6: {  	[sflag:s8] =	ssyncset.done $0x0  }
0xd7: {  	s12 =	sld [smem:$0x7BE];
	[sflag:s8] =	ssyncadd.s32 $0xFFFF3000  }
0xd8: {  	[tilespmem:s30], [sflag:$0x2] =	stream.indirect.gather [hbm4b:s3+s5], $0x20, s11, s5, $0xb8;
	[tilespmem:$0x1D400] =	vst v63  }
0xd9: {  	s19 =	simm.s32 $0x11400;
	s13 =	sld [smem:$0x7BF]  }
0xda: {  	[tilespmem:s19], [sflag:$0x2] =	stream.indirect.gather [hbm4b:s3+s5], $0x20, s12, s5, $0xb8;
	[tilespmem:$0x1D400] =	vst v63  }
0xdb: {  	s21 =	sld [smem:$0x7C0]  }
0xdc: {  	[tilespmem:s26], [sflag:$0x2] =	stream.indirect.gather [hbm4b:s3+s5], $0x20, s13, s5, $0xb8;
	[tilespmem:$0x1D400] =	vst v63  }
0xdd: {  	s24 =	simm.s32 $0x13400;
	s11 =	sld [smem:$0x7C1]  }
0xde: {  	[tilespmem:s24], [sflag:$0x2] =	stream.indirect.gather [hbm4b:s3+s5], $0x20, s21, s5, $0xb8;
	[tilespmem:$0x1D400] =	vst v63  }
0xdf: {  	s19 =	sld [smem:$0x7C2]  }
0xe0: {  	[tilespmem:s6], [sflag:$0x2] =	stream.indirect.gather [hbm4b:s3+s5], $0x20, s11, s5, $0xb8;
	[tilespmem:$0x1D400] =	vst v63  }
0xe1: {  	s21 =	sld [smem:$0x7C3];
	s24 =	simm.s32 $0x15400  }
0xe2: {  	[tilespmem:s24], [sflag:$0x2] =	stream.indirect.gather [hbm4b:s3+s5], $0x20, s19, s5, $0xb8;
	[tilespmem:$0x1D400] =	vst v63  }
0xe3: {  	s4 =	simm.s32 $0x16400;
	s11 =	sld [smem:$0x7C4]  }
0xe4: {  	[tilespmem:s4], [sflag:$0x2] =	stream.indirect.gather [hbm4b:s3+s5], $0x20, s21, s5, $0xb8;
	[tilespmem:$0x1D400] =	vst v63  }
0xe5: {  	s19 =	sld [smem:$0x7C5]  }
0xe6: {  	[tilespmem:s23], [sflag:$0x2] =	stream.indirect.gather [hbm4b:s3+s5], $0x20, s11, s5, $0xb8;
	[tilespmem:$0x1D400] =	vst v63  }
0xe7: {  	s24 =	sld [smem:$0x7C6]  }
0xe8: {  	[tilespmem:s0], [sflag:$0x2] =	stream.indirect.gather [hbm4b:s3+s5], $0x20, s19, s5, $0xb8;
	[tilespmem:$0x1D400] =	vst v63  }
0xe9: {  	s4 =	sld [smem:$0x7C7]  }
0xea: {  	[tilespmem:s1], [sflag:$0x2] =	stream.indirect.gather [hbm4b:s3+s5], $0x20, s24, s5, $0xb8;
	[tilespmem:$0x1D400] =	vst v63  }
0xeb: {  	s11 =	sld [smem:$0x7C8]  }
0xec: {  	[tilespmem:s28], [sflag:$0x2] =	stream.indirect.gather [hbm4b:s3+s5], $0x20, s4, s5, $0xb8;
	[tilespmem:$0x1D400] =	vst v63  }
0xed: {  	s20 =	simm.s32 $0x1B400;
	s19 =	sld [smem:$0x7C9]  }
0xee: {  	[tilespmem:s20], [sflag:$0x2] =	stream.indirect.gather [hbm4b:s3+s5], $0x20, s11, s5, $0xb8;
	[tilespmem:$0x1D400] =	vst v63  }
0xef: {  	s20 =	simm.s32 $0x1C400  }
0xf0: {  	[tilespmem:s20], [sflag:$0x2] =	stream.indirect.gather [hbm4b:s3+s5], $0x20, s19, s5, $0xb8;
	[tilespmem:$0x1D400] =	vst v63  }
0xf1: {  	_ =	swait.ge [sflag:s14], $0xD000  }
0xf2: {  	[sflag:s14] =	ssyncset.done $0x0  }
0xf3: {  	s11 =	rddreg [dreg:$0x5];
	[sflag:s14] =	ssyncadd.s32 $0xFFFF3000  }
0xf4: {  	[hbm4b:s11+s2] =	stream.linear.scatter [tilespmem:s7], [sflag:$0x3], $0xD000, $0x38;
	[tilespmem:$0x1D400] =	vst v63  }
0xf5: {  	_ =	swait.ge [sflag:s9], $0xD000  }
0xf6: {  	s15 =	sld [smem:$0x7CA]  }
0xf7: {  	[sflag:s9] =	ssyncset.done $0x0  }
0xf8: {  	s20 =	sld [smem:$0x7CB];
	[sflag:s9] =	ssyncadd.s32 $0xFFFF3000  }
0xf9: {  	[tilespmem:s7], [sflag:$0x1] =	stream.indirect.gather [hbm4b:s3+s5], $0x20, s15, s5, $0xb8;
	[tilespmem:$0x1D400] =	vst v63  }
0xfa: {  	s4 =	sld [smem:$0x7CC]  }
0xfb: {  	[tilespmem:s16], [sflag:$0x1] =	stream.indirect.gather [hbm4b:s3+s5], $0x20, s20, s5, $0xb8;
	[tilespmem:$0x1D400] =	vst v63  }
0xfc: {  	s16 =	sld [smem:$0x7CD];
	s20 =	simm.s32 $0x5400  }
0xfd: {  	[tilespmem:s20], [sflag:$0x1] =	stream.indirect.gather [hbm4b:s3+s5], $0x20, s4, s5, $0xb8;
	[tilespmem:$0x1D400] =	vst v63  }
0xfe: {  	s4 =	sld [smem:$0x7CE]  }
0xff: {  	[tilespmem:s17], [sflag:$0x1] =	stream.indirect.gather [hbm4b:s3+s5], $0x20, s16, s5, $0xb8;
	[tilespmem:$0x1D400] =	vst v63  }
0x100: {  	s15 =	sld [smem:$0x7CF];
	s17 =	simm.s32 $0x7400  }
0x101: {  	[tilespmem:s17], [sflag:$0x1] =	stream.indirect.gather [hbm4b:s3+s5], $0x20, s4, s5, $0xb8;
	[tilespmem:$0x1D400] =	vst v63  }
0x102: {  	s13 =	sld [smem:$0x7D0];
	s20 =	simm.s32 $0x8400  }
0x103: {  	[tilespmem:s20], [sflag:$0x1] =	stream.indirect.gather [hbm4b:s3+s5], $0x20, s15, s5, $0xb8;
	[tilespmem:$0x1D400] =	vst v63  }
0x104: {  	s17 =	sld [smem:$0x7D1];
	s20 =	simm.s32 $0x9400  }
0x105: {  	[tilespmem:s20], [sflag:$0x1] =	stream.indirect.gather [hbm4b:s3+s5], $0x20, s13, s5, $0xb8;
	[tilespmem:$0x1D400] =	vst v63  }
0x106: {  	s4 =	sld [smem:$0x7D2]  }
0x107: {  	[tilespmem:s25], [sflag:$0x1] =	stream.indirect.gather [hbm4b:s3+s5], $0x20, s17, s5, $0xb8;
	[tilespmem:$0x1D400] =	vst v63  }
0x108: {  	s17 =	sld [smem:$0x7D3]  }
0x109: {  	[tilespmem:s29], [sflag:$0x1] =	stream.indirect.gather [hbm4b:s3+s5], $0x20, s4, s5, $0xb8;
	[tilespmem:$0x1D400] =	vst v63  }
0x10a: {  	s4 =	sld [smem:$0x7D4]  }
0x10b: {  	[tilespmem:s31], [sflag:$0x1] =	stream.indirect.gather [hbm4b:s3+s5], $0x20, s17, s5, $0xb8;
	[tilespmem:$0x1D400] =	vst v63  }
0x10c: {  	s15 =	sld [smem:$0x7D5];
	s17 =	simm.s32 $0xD400  }
0x10d: {  	[tilespmem:s17], [sflag:$0x1] =	stream.indirect.gather [hbm4b:s3+s5], $0x20, s4, s5, $0xb8;
	[tilespmem:$0x1D400] =	vst v63  }
0x10e: {  	s18 =	simm.s32 $0xE400;
	s17 =	sld [smem:$0x7D6]  }
0x10f: {  	[tilespmem:s18], [sflag:$0x1] =	stream.indirect.gather [hbm4b:s3+s5], $0x20, s15, s5, $0xb8;
	[tilespmem:$0x1D400] =	vst v63  }
0x110: {  	_ = 	snop  }
0x111: {  	[tilespmem:s22], [sflag:$0x1] =	stream.indirect.gather [hbm4b:s3+s5], $0x20, s17, s5, $0xb8;
	[tilespmem:$0x1D400] =	vst v63  }
0x112: {  	_ =	swait.ge [sflag:s10], $0xD000  }
0x113: {  	[sflag:s10] =	ssyncset.done $0x0  }
0x114: {  	s15 =	rddreg [dreg:$0x6];
	[sflag:s10] =	ssyncadd.s32 $0xFFFF3000  }
0x115: {  	[hbm4b:s15+s2] =	stream.linear.scatter [tilespmem:s30], [sflag:$0x4], $0xD000, $0x38;
	[tilespmem:$0x1D400] =	vst v63  }
0x116: {  	_ =	swait.ge [sflag:s8], $0xD000  }
0x117: {  	s18 =	sld [smem:$0x7D7]  }
0x118: {  	[sflag:s8] =	ssyncset.done $0x0  }
0x119: {  	s22 =	sld [smem:$0x7D8];
	[sflag:s8] =	ssyncadd.s32 $0xFFFF3000  }
0x11a: {  	[tilespmem:s30], [sflag:$0x2] =	stream.indirect.gather [hbm4b:s3+s5], $0x20, s18, s5, $0xb8;
	[tilespmem:$0x1D400] =	vst v63  }
0x11b: {  	s12 =	simm.s32 $0x11400;
	s18 =	sld [smem:$0x7D9]  }
0x11c: {  	[tilespmem:s12], [sflag:$0x2] =	stream.indirect.gather [hbm4b:s3+s5], $0x20, s22, s5, $0xb8;
	[tilespmem:$0x1D400] =	vst v63  }
0x11d: {  	s12 =	sld [smem:$0x7DA]  }
0x11e: {  	[tilespmem:s26], [sflag:$0x2] =	stream.indirect.gather [hbm4b:s3+s5], $0x20, s18, s5, $0xb8;
	[tilespmem:$0x1D400] =	vst v63  }
0x11f: {  	s13 =	sld [smem:$0x7DB];
	s18 =	simm.s32 $0x13400  }
0x120: {  	[tilespmem:s18], [sflag:$0x2] =	stream.indirect.gather [hbm4b:s3+s5], $0x20, s12, s5, $0xb8;
	[tilespmem:$0x1D400] =	vst v63  }
0x121: {  	s12 =	sld [smem:$0x7DC]  }
0x122: {  	[tilespmem:s6], [sflag:$0x2] =	stream.indirect.gather [hbm4b:s3+s5], $0x20, s13, s5, $0xb8;
	[tilespmem:$0x1D400] =	vst v63  }
0x123: {  	s18 =	simm.s32 $0x15400;
	s13 =	sld [smem:$0x7DD]  }
0x124: {  	[tilespmem:s18], [sflag:$0x2] =	stream.indirect.gather [hbm4b:s3+s5], $0x20, s12, s5, $0xb8;
	[tilespmem:$0x1D400] =	vst v63  }
0x125: {  	s21 =	simm.s32 $0x16400;
	s15 =	sld [smem:$0x7DE]  }
0x126: {  	[tilespmem:s21], [sflag:$0x2] =	stream.indirect.gather [hbm4b:s3+s5], $0x20, s13, s5, $0xb8;
	[tilespmem:$0x1D400] =	vst v63  }
0x127: {  	s12 =	sld [smem:$0x7DF]  }
0x128: {  	[tilespmem:s23], [sflag:$0x2] =	stream.indirect.gather [hbm4b:s3+s5], $0x20, s15, s5, $0xb8;
	[tilespmem:$0x1D400] =	vst v63  }
0x129: {  	s21 =	sld [smem:$0x7E0]  }
0x12a: {  	[tilespmem:s0], [sflag:$0x2] =	stream.indirect.gather [hbm4b:s3+s5], $0x20, s12, s5, $0xb8;
	[tilespmem:$0x1D400] =	vst v63  }
0x12b: {  	s12 =	sld [smem:$0x7E1]  }
0x12c: {  	[tilespmem:s1], [sflag:$0x2] =	stream.indirect.gather [hbm4b:s3+s5], $0x20, s21, s5, $0xb8;
	[tilespmem:$0x1D400] =	vst v63  }
0x12d: {  	s21 =	sld [smem:$0x7E2]  }
0x12e: {  	[tilespmem:s28], [sflag:$0x2] =	stream.indirect.gather [hbm4b:s3+s5], $0x20, s12, s5, $0xb8;
	[tilespmem:$0x1D400] =	vst v63  }
0x12f: {  	s24 =	simm.s32 $0x1B400;
	s12 =	sld [smem:$0x7E3]  }
0x130: {  	[tilespmem:s24], [sflag:$0x2] =	stream.indirect.gather [hbm4b:s3+s5], $0x20, s21, s5, $0xb8;
	[tilespmem:$0x1D400] =	vst v63  }
0x131: {  	s19 =	simm.s32 $0x1C400  }
0x132: {  	[tilespmem:s19], [sflag:$0x2] =	stream.indirect.gather [hbm4b:s3+s5], $0x20, s12, s5, $0xb8;
	[tilespmem:$0x1D400] =	vst v63  }
0x133: {  	_ =	swait.ge [sflag:s14], $0xD000  }
0x134: {  	[sflag:s14] =	ssyncset.done $0x0  }
0x135: {  	s15 =	rddreg [dreg:$0x7];
	[sflag:s14] =	ssyncadd.s32 $0xFFFF3000  }
0x136: {  	[hbm4b:s15+s2] =	stream.linear.scatter [tilespmem:s7], [sflag:$0x3], $0xD000, $0x38;
	[tilespmem:$0x1D400] =	vst v63  }
0x137: {  	_ =	swait.ge [sflag:s9], $0xD000  }
0x138: {  	s19 =	sld [smem:$0x7E4]  }
0x139: {  	[sflag:s9] =	ssyncset.done $0x0  }
0x13a: {  	s24 =	sld [smem:$0x7E5];
	[sflag:s9] =	ssyncadd.s32 $0xFFFF3000  }
0x13b: {  	[tilespmem:s7], [sflag:$0x1] =	stream.indirect.gather [hbm4b:s3+s5], $0x20, s19, s5, $0xb8;
	[tilespmem:$0x1D400] =	vst v63  }
0x13c: {  	s11 =	simm.s32 $0x4400;
	s13 =	sld [smem:$0x7E6]  }
0x13d: {  	[tilespmem:s11], [sflag:$0x1] =	stream.indirect.gather [hbm4b:s3+s5], $0x20, s24, s5, $0xb8;
	[tilespmem:$0x1D400] =	vst v63  }
0x13e: {  	s19 =	sld [smem:$0x7E7];
	s24 =	simm.s32 $0x5400  }
0x13f: {  	[tilespmem:s24], [sflag:$0x1] =	stream.indirect.gather [hbm4b:s3+s5], $0x20, s13, s5, $0xb8;
	[tilespmem:$0x1D400] =	vst v63  }
0x140: {  	s16 =	simm.s32 $0x6400;
	s11 =	sld [smem:$0x7E8]  }
0x141: {  	[tilespmem:s16], [sflag:$0x1] =	stream.indirect.gather [hbm4b:s3+s5], $0x20, s19, s5, $0xb8;
	[tilespmem:$0x1D400] =	vst v63  }
0x142: {  	s15 =	sld [smem:$0x7E9];
	s19 =	simm.s32 $0x7400  }
0x143: {  	[tilespmem:s19], [sflag:$0x1] =	stream.indirect.gather [hbm4b:s3+s5], $0x20, s11, s5, $0xb8;
	[tilespmem:$0x1D400] =	vst v63  }
0x144: {  	s24 =	sld [smem:$0x7EA];
	s16 =	simm.s32 $0x8400  }
0x145: {  	[tilespmem:s16], [sflag:$0x1] =	stream.indirect.gather [hbm4b:s3+s5], $0x20, s15, s5, $0xb8;
	[tilespmem:$0x1D400] =	vst v63  }
0x146: {  	s20 =	simm.s32 $0x9400;
	s19 =	sld [smem:$0x7EB]  }
0x147: {  	[tilespmem:s20], [sflag:$0x1] =	stream.indirect.gather [hbm4b:s3+s5], $0x20, s24, s5, $0xb8;
	[tilespmem:$0x1D400] =	vst v63  }
0x148: {  	s20 =	sld [smem:$0x7EC]  }
0x149: {  	[tilespmem:s25], [sflag:$0x1] =	stream.indirect.gather [hbm4b:s3+s5], $0x20, s19, s5, $0xb8;
	[tilespmem:$0x1D400] =	vst v63  }
0x14a: {  	s24 =	sld [smem:$0x7ED]  }
0x14b: {  	[tilespmem:s29], [sflag:$0x1] =	stream.indirect.gather [hbm4b:s3+s5], $0x20, s20, s5, $0xb8;
	[tilespmem:$0x1D400] =	vst v63  }
0x14c: {  	s25 =	sld [smem:$0x7EE]  }
0x14d: {  	[tilespmem:s31], [sflag:$0x1] =	stream.indirect.gather [hbm4b:s3+s5], $0x20, s24, s5, $0xb8;
	[tilespmem:$0x1D400] =	vst v63  }
0x14e: {  	s29 =	sld [smem:$0x7EF];
	s31 =	simm.s32 $0xD400  }
0x14f: {  	[tilespmem:s31], [sflag:$0x1] =	stream.indirect.gather [hbm4b:s3+s5], $0x20, s25, s5, $0xb8;
	[tilespmem:$0x1D400] =	vst v63  }
0x150: {  	s4 =	simm.s32 $0xE400;
	s16 =	sld [smem:$0x7F0]  }
0x151: {  	[tilespmem:s4], [sflag:$0x1] =	stream.indirect.gather [hbm4b:s3+s5], $0x20, s29, s5, $0xb8;
	[tilespmem:$0x1D400] =	vst v63  }
0x152: {  	s17 =	simm.s32 $0xF400  }
0x153: {  	[tilespmem:s17], [sflag:$0x1] =	stream.indirect.gather [hbm4b:s3+s5], $0x20, s16, s5, $0xb8;
	[tilespmem:$0x1D400] =	vst v63  }
0x154: {  	_ =	swait.ge [sflag:s10], $0xD000  }
0x155: {  	[sflag:s10] =	ssyncset.done $0x0  }
0x156: {  	s17 =	rddreg [dreg:$0x8];
	[sflag:s10] =	ssyncadd.s32 $0xFFFF3000  }
0x157: {  	[hbm4b:s17+s2] =	stream.linear.scatter [tilespmem:s30], [sflag:$0x4], $0xD000, $0x38;
	[tilespmem:$0x1D400] =	vst v63  }
0x158: {  	_ =	swait.ge [sflag:s8], $0xD000  }
0x159: {  	s19 =	sld [smem:$0x7F1]  }
0x15a: {  	[sflag:s8] =	ssyncset.done $0x0  }
0x15b: {  	s20 =	sld [smem:$0x7F2];
	[sflag:s8] =	ssyncadd.s32 $0xFFFF3000  }
0x15c: {  	[tilespmem:s30], [sflag:$0x2] =	stream.indirect.gather [hbm4b:s3+s5], $0x20, s19, s5, $0xb8;
	[tilespmem:$0x1D400] =	vst v63  }
0x15d: {  	s22 =	simm.s32 $0x11400;
	s24 =	sld [smem:$0x7F3]  }
0x15e: {  	[tilespmem:s22], [sflag:$0x2] =	stream.indirect.gather [hbm4b:s3+s5], $0x20, s20, s5, $0xb8;
	[tilespmem:$0x1D400] =	vst v63  }
0x15f: {  	s25 =	sld [smem:$0x7F4]  }
0x160: {  	[tilespmem:s26], [sflag:$0x2] =	stream.indirect.gather [hbm4b:s3+s5], $0x20, s24, s5, $0xb8;
	[tilespmem:$0x1D400] =	vst v63  }
0x161: {  	s31 =	simm.s32 $0x13400;
	s29 =	sld [smem:$0x7F5]  }
0x162: {  	[tilespmem:s31], [sflag:$0x2] =	stream.indirect.gather [hbm4b:s3+s5], $0x20, s25, s5, $0xb8;
	[tilespmem:$0x1D400] =	vst v63  }
0x163: {  	s11 =	sld [smem:$0x7F6]  }
0x164: {  	[tilespmem:s6], [sflag:$0x2] =	stream.indirect.gather [hbm4b:s3+s5], $0x20, s29, s5, $0xb8;
	[tilespmem:$0x1D400] =	vst v63  }
0x165: {  	s17 =	simm.s32 $0x15400;
	s16 =	sld [smem:$0x7F7]  }
0x166: {  	[tilespmem:s17], [sflag:$0x2] =	stream.indirect.gather [hbm4b:s3+s5], $0x20, s11, s5, $0xb8;
	[tilespmem:$0x1D400] =	vst v63  }
0x167: {  	s18 =	simm.s32 $0x16400;
	s19 =	sld [smem:$0x7F8]  }
0x168: {  	[tilespmem:s18], [sflag:$0x2] =	stream.indirect.gather [hbm4b:s3+s5], $0x20, s16, s5, $0xb8;
	[tilespmem:$0x1D400] =	vst v63  }
0x169: {  	s20 =	sld [smem:$0x7F9]  }
0x16a: {  	[tilespmem:s23], [sflag:$0x2] =	stream.indirect.gather [hbm4b:s3+s5], $0x20, s19, s5, $0xb8;
	[tilespmem:$0x1D400] =	vst v63  }
0x16b: {  	s22 =	sld [smem:$0x7FA]  }
0x16c: {  	[tilespmem:s0], [sflag:$0x2] =	stream.indirect.gather [hbm4b:s3+s5], $0x20, s20, s5, $0xb8;
	[tilespmem:$0x1D400] =	vst v63  }
0x16d: {  	s23 =	sld [smem:$0x7FB]  }
0x16e: {  	[tilespmem:s1], [sflag:$0x2] =	stream.indirect.gather [hbm4b:s3+s5], $0x20, s22, s5, $0xb8;
	[tilespmem:$0x1D400] =	vst v63  }
0x16f: {  	s24 =	sld [smem:$0x7FC]  }
0x170: {  	[tilespmem:s28], [sflag:$0x2] =	stream.indirect.gather [hbm4b:s3+s5], $0x20, s23, s5, $0xb8;
	[tilespmem:$0x1D400] =	vst v63  }
0x171: {  	s21 =	simm.s32 $0x1B400;
	s25 =	sld [smem:$0x7FD]  }
0x172: {  	[tilespmem:s21], [sflag:$0x2] =	stream.indirect.gather [hbm4b:s3+s5], $0x20, s24, s5, $0xb8;
	[tilespmem:$0x1D400] =	vst v63  }
0x173: {  	s12 =	simm.s32 $0x1C400  }
0x174: {  	[tilespmem:s12], [sflag:$0x2] =	stream.indirect.gather [hbm4b:s3+s5], $0x20, s25, s5, $0xb8;
	[tilespmem:$0x1D400] =	vst v63  }
0x175: {  	_ =	swait.ge [sflag:s14], $0xD000  }
0x176: {  	[sflag:s14] =	ssyncset.done $0x0  }
0x177: {  	s26 =	rddreg [dreg:$0x9];
	[sflag:s14] =	ssyncadd.s32 $0xFFFF3000  }
0x178: {  	[hbm4b:s26+s2] =	stream.linear.scatter [tilespmem:s7], [sflag:$0x3], $0xD000, $0x38;
	[tilespmem:$0x1D400] =	vst v63  }
0x179: {  	_ =	swait.ge [sflag:s10], $0xD000  }
0x17a: {  	[sflag:s10] =	ssyncset.done $0x0  }
0x17b: {  	s29 =	rddreg [dreg:$0xa];
	[sflag:s10] =	ssyncadd.s32 $0xFFFF3000  }
0x17c: {  	[hbm4b:s29+s2] =	stream.linear.scatter [tilespmem:s30], [sflag:$0x4], $0xD000, $0x38;
	[tilespmem:$0x1D400] =	vst v63  }
0x17d: {  	_ =	swait.ge [sflag:s9], $0xD000  }
0x17e: {  	s31 =	sld [smem:$0x7AB];
	_ =	sdelay $0x2  }
0x17f: {  	p1 =	sne.s32 s31, $0x1  }
.Ltmp1:
0x180: {  	_ = 	snop;
	(pc) =	sbr.rel @!p1 .LBB2_3-.Ltmp1, $4  }
0x181: {  	[sflag:s9] =	ssyncset.done $0x0  }
0x182: {  	p0 =	por $0x1, $0x1;
	[sflag:s9] =	ssyncadd.s32 $0xFFFF3000  }
0x183: {  	s18 =	simm.s32 $0x10400;
	s28 =	simm.s32 $0x3400;
	_ =	swait.ge [sflag:s8], $0xD000  }
0x184: {  	s13 =	sadd.s32 $0xFFFFFFFF, s31;
	s15 =	rddreg [dreg:$0x3];
	[sflag:s8] =	ssyncset.done $0x0  }
.LBB2_4:
0x185: {  	[sflag:s8] =	ssyncadd.s32 $0xFFFF3000;
	s22 =	simm.s32 $0x5  }
0x186: {  	[tilespmem:s2], [sflag:$0x5] =	stream.linear.gather [hbm4b:s15+s2], $0x3400, $0x38;
	[tilespmem:$0x1D400] =	vst v63  }
0x187: {  	_ =	swait.ge [sflag:s22], $0x3400  }
0x188: {  	[sflag:s22] =	ssyncset.done $0x0  }
0x189: {  	[sflag:s22] =	ssyncadd.s32 $0xFFFFCC00  }
0x18a: {  	[tilespmem:s28], [sflag:$0x1] =	stream.indirect.gather [hbm4b:s3+s5], $0x20, s2, s5, $0xb8;
	[tilespmem:$0x1D400] =	vst v63  }
0x18b: {  	s0 =	simm.s32 $0x4400;
	s23 =	rddreg [dreg:$0xb]  }
0x18c: {  	[tilespmem:s0], [sflag:$0x1] =	stream.indirect.gather [hbm4b:s3+s5], $0x20, s5, s5, $0xb8;
	[tilespmem:$0x1D400] =	vst v63  }
0x18d: {  	s24 =	simm.s32 $0x5400;
	s16 =	rddreg [dreg:$0xc]  }
0x18e: {  	[tilespmem:s24], [sflag:$0x1] =	stream.indirect.gather [hbm4b:s3+s5], $0x20, s23, s5, $0xb8;
	[tilespmem:$0x1D400] =	vst v63  }
0x18f: {  	s26 =	simm.s32 $0x6400;
	s25 =	rddreg [dreg:$0xd]  }
0x190: {  	[tilespmem:s26], [sflag:$0x1] =	stream.indirect.gather [hbm4b:s3+s5], $0x20, s16, s5, $0xb8;
	[tilespmem:$0x1D400] =	vst v63  }
0x191: {  	s31 =	simm.s32 $0x7400;
	s30 =	rddreg [dreg:$0xe]  }
0x192: {  	[tilespmem:s31], [sflag:$0x1] =	stream.indirect.gather [hbm4b:s3+s5], $0x20, s25, s5, $0xb8;
	[tilespmem:$0x1D400] =	vst v63  }
0x193: {  	s1 =	rddreg [dreg:$0xf];
	s2 =	simm.s32 $0x8400  }
0x194: {  	[tilespmem:s2], [sflag:$0x1] =	stream.indirect.gather [hbm4b:s3+s5], $0x20, s30, s5, $0xb8;
	[tilespmem:$0x1D400] =	vst v63  }
0x195: {  	s6 =	simm.s32 $0x9400;
	s4 =	rddreg [dreg:$0x10]  }
0x196: {  	[tilespmem:s6], [sflag:$0x1] =	stream.indirect.gather [hbm4b:s3+s5], $0x20, s1, s5, $0xb8;
	[tilespmem:$0x1D400] =	vst v63  }
0x197: {  	s8 =	simm.s32 $0xA400;
	s7 =	rddreg [dreg:$0x11]  }
0x198: {  	[tilespmem:s8], [sflag:$0x1] =	stream.indirect.gather [hbm4b:s3+s5], $0x20, s4, s5, $0xb8;
	[tilespmem:$0x1D400] =	vst v63  }
0x199: {  	s10 =	simm.s32 $0xB400;
	s9 =	rddreg [dreg:$0x12]  }
0x19a: {  	[tilespmem:s10], [sflag:$0x1] =	stream.indirect.gather [hbm4b:s3+s5], $0x20, s7, s5, $0xb8;
	[tilespmem:$0x1D400] =	vst v63  }
0x19b: {  	s14 =	simm.s32 $0xC400;
	s11 =	rddreg [dreg:$0x13]  }
0x19c: {  	[tilespmem:s14], [sflag:$0x1] =	stream.indirect.gather [hbm4b:s3+s5], $0x20, s9, s5, $0xb8;
	[tilespmem:$0x1D400] =	vst v63  }
0x19d: {  	s17 =	rddreg [dreg:$0x14];
	s25 =	simm.s32 $0xD400  }
0x19e: {  	[tilespmem:s25], [sflag:$0x1] =	stream.indirect.gather [hbm4b:s3+s5], $0x20, s11, s5, $0xb8;
	[tilespmem:$0x1D400] =	vst v63  }
0x19f: {  	s26 =	rddreg [dreg:$0x15];
	s30 =	simm.s32 $0xE400  }
0x1a0: {  	[tilespmem:s30], [sflag:$0x1] =	stream.indirect.gather [hbm4b:s3+s5], $0x20, s17, s5, $0xb8;
	[tilespmem:$0x1D400] =	vst v63  }
0x1a1: {  	s31 =	rddreg [dreg:$0x16];
	s1 =	simm.s32 $0xF400  }
0x1a2: {  	[tilespmem:s1], [sflag:$0x1] =	stream.indirect.gather [hbm4b:s3+s5], $0x20, s26, s5, $0xb8;
	[tilespmem:$0x1D400] =	vst v63  }
0x1a3: {  	s2 =	rddreg [dreg:$0x17]  }
0x1a4: {  	[tilespmem:s18], [sflag:$0x2] =	stream.indirect.gather [hbm4b:s3+s5], $0x20, s31, s5, $0xb8;
	[tilespmem:$0x1D400] =	vst v63  }
0x1a5: {  	s8 =	rddreg [dreg:$0x18];
	s9 =	simm.s32 $0x11400  }
0x1a6: {  	[tilespmem:s9], [sflag:$0x2] =	stream.indirect.gather [hbm4b:s3+s5], $0x20, s2, s5, $0xb8;
	[tilespmem:$0x1D400] =	vst v63  }
0x1a7: {  	s10 =	rddreg [dreg:$0x19];
	s11 =	simm.s32 $0x12400  }
0x1a8: {  	[tilespmem:s11], [sflag:$0x2] =	stream.indirect.gather [hbm4b:s3+s5], $0x20, s8, s5, $0xb8;
	[tilespmem:$0x1D400] =	vst v63  }
0x1a9: {  	s14 =	rddreg [dreg:$0x1a];
	s17 =	simm.s32 $0x13400  }
0x1aa: {  	[tilespmem:s17], [sflag:$0x2] =	stream.indirect.gather [hbm4b:s3+s5], $0x20, s10, s5, $0xb8;
	[tilespmem:$0x1D400] =	vst v63  }
0x1ab: {  	s25 =	rddreg [dreg:$0x1b];
	s30 =	simm.s32 $0x14400  }
0x1ac: {  	[tilespmem:s30], [sflag:$0x2] =	stream.indirect.gather [hbm4b:s3+s5], $0x20, s14, s5, $0xb8;
	[tilespmem:$0x1D400] =	vst v63  }
0x1ad: {  	s1 =	simm.s32 $0x15400;
	s31 =	rddreg [dreg:$0x1c]  }
0x1ae: {  	[tilespmem:s1], [sflag:$0x2] =	stream.indirect.gather [hbm4b:s3+s5], $0x20, s25, s5, $0xb8;
	[tilespmem:$0x1D400] =	vst v63  }
0x1af: {  	s11 =	rddreg [dreg:$0x1d];
	s17 =	simm.s32 $0x16400  }
0x1b0: {  	[tilespmem:s17], [sflag:$0x2] =	stream.indirect.gather [hbm4b:s3+s5], $0x20, s31, s5, $0xb8;
	[tilespmem:$0x1D400] =	vst v63  }
0x1b1: {  	s30 =	simm.s32 $0x17400;
	s1 =	sld [smem:$0x7AD]  }
0x1b2: {  	[tilespmem:s30], [sflag:$0x2] =	stream.indirect.gather [hbm4b:s3+s5], $0x20, s11, s5, $0xb8;
	[tilespmem:$0x1D400] =	vst v63  }
0x1b3: {  	s25 =	simm.s32 $0x18400;
	s17 =	rddreg [dreg:$0x1e]  }
0x1b4: {  	[tilespmem:s25], [sflag:$0x2] =	stream.indirect.gather [hbm4b:s3+s5], $0x20, s17, s5, $0xb8;
	[tilespmem:$0x1D400] =	vst v63  }
0x1b5: {  	s31 =	rddreg [dreg:$0x1f];
	s11 =	simm.s32 $0x19400  }
0x1b6: {  	[tilespmem:s11], [sflag:$0x2] =	stream.indirect.gather [hbm4b:s3+s5], $0x20, s31, s5, $0xb8;
	[tilespmem:$0x1D400] =	vst v63  }
0x1b7: {  	s30 =	simm.s32 $0x1A400;
	s17 =	sld [smem:$0x7AE]  }
0x1b8: {  	[tilespmem:s30], [sflag:$0x2] =	stream.indirect.gather [hbm4b:s3+s5], $0x20, s1, s5, $0xb8;
	[tilespmem:$0x1D400] =	vst v63  }
0x1b9: {  	s31 =	sld [smem:$0x7AF];
	s11 =	simm.s32 $0x1B400  }
0x1ba: {  	[tilespmem:s11], [sflag:$0x2] =	stream.indirect.gather [hbm4b:s3+s5], $0x20, s17, s5, $0xb8;
	[tilespmem:$0x1D400] =	vst v63  }
0x1bb: {  	s0 =	simm.s32 $0x1;
	s17 =	simm.s32 $0x1C400  }
0x1bc: {  	[tilespmem:s17], [sflag:$0x2] =	stream.indirect.gather [hbm4b:s3+s5], $0x20, s31, s5, $0xb8;
	[tilespmem:$0x1D400] =	vst v63  }
0x1bd: {  	_ =	swait.ge [sflag:s0], $0xD000  }
0x1be: {  	s25 =	sld [smem:$0x7AC]  }
0x1bf: {  	[sflag:s0] =	ssyncset.done $0x0  }
0x1c0: {  	s8 =	simm.s32 $0x0;
	s10 =	simm.s32 $0x3;
	[sflag:s0] =	ssyncadd.s32 $0xFFFF3000  }
0x1c1: {  	[hbm4b:s25+s8] =	stream.linear.scatter [tilespmem:s28], [sflag:$0x3], $0xD000, $0x38;
	[tilespmem:$0x1D400] =	vst v63  }
0x1c2: {  	_ =	swait.ge [sflag:s10], $0xD000  }
0x1c3: {  	s30 =	sld [smem:$0x7B0]  }
0x1c4: {  	[sflag:s10] =	ssyncset.done $0x0  }
0x1c5: {  	s31 =	sld [smem:$0x7B1];
	[sflag:s10] =	ssyncadd.s32 $0xFFFF3000  }
0x1c6: {  	[tilespmem:s28], [sflag:$0x1] =	stream.indirect.gather [hbm4b:s3+s5], $0x20, s30, s5, $0xb8;
	[tilespmem:$0x1D400] =	vst v63  }
0x1c7: {  	s29 =	simm.s32 $0x4400;
	s0 =	sld [smem:$0x7B2]  }
0x1c8: {  	[tilespmem:s29], [sflag:$0x1] =	stream.indirect.gather [hbm4b:s3+s5], $0x20, s31, s5, $0xb8;
	[tilespmem:$0x1D400] =	vst v63  }
0x1c9: {  	s24 =	simm.s32 $0x5400;
	s1 =	sld [smem:$0x7B3]  }
0x1ca: {  	[tilespmem:s24], [sflag:$0x1] =	stream.indirect.gather [hbm4b:s3+s5], $0x20, s0, s5, $0xb8;
	[tilespmem:$0x1D400] =	vst v63  }
0x1cb: {  	s23 =	simm.s32 $0x6400;
	s17 =	sld [smem:$0x7B4]  }
0x1cc: {  	[tilespmem:s23], [sflag:$0x1] =	stream.indirect.gather [hbm4b:s3+s5], $0x20, s1, s5, $0xb8;
	[tilespmem:$0x1D400] =	vst v63  }
0x1cd: {  	s22 =	simm.s32 $0x7400;
	s24 =	sld [smem:$0x7B5]  }
0x1ce: {  	[tilespmem:s22], [sflag:$0x1] =	stream.indirect.gather [hbm4b:s3+s5], $0x20, s17, s5, $0xb8;
	[tilespmem:$0x1D400] =	vst v63  }
0x1cf: {  	s21 =	simm.s32 $0x8400;
	s25 =	sld [smem:$0x7B6]  }
0x1d0: {  	[tilespmem:s21], [sflag:$0x1] =	stream.indirect.gather [hbm4b:s3+s5], $0x20, s24, s5, $0xb8;
	[tilespmem:$0x1D400] =	vst v63  }
0x1d1: {  	s20 =	simm.s32 $0x9400;
	s29 =	sld [smem:$0x7B7]  }
0x1d2: {  	[tilespmem:s20], [sflag:$0x1] =	stream.indirect.gather [hbm4b:s3+s5], $0x20, s25, s5, $0xb8;
	[tilespmem:$0x1D400] =	vst v63  }
0x1d3: {  	s19 =	simm.s32 $0xA400;
	s30 =	sld [smem:$0x7B8]  }
0x1d4: {  	[tilespmem:s19], [sflag:$0x1] =	stream.indirect.gather [hbm4b:s3+s5], $0x20, s29, s5, $0xb8;
	[tilespmem:$0x1D400] =	vst v63  }
0x1d5: {  	s12 =	simm.s32 $0xB400;
	s31 =	sld [smem:$0x7B9]  }
0x1d6: {  	[tilespmem:s12], [sflag:$0x1] =	stream.indirect.gather [hbm4b:s3+s5], $0x20, s30, s5, $0xb8;
	[tilespmem:$0x1D400] =	vst v63  }
0x1d7: {  	s6 =	simm.s32 $0xC400;
	s0 =	sld [smem:$0x7BA]  }
0x1d8: {  	[tilespmem:s6], [sflag:$0x1] =	stream.indirect.gather [hbm4b:s3+s5], $0x20, s31, s5, $0xb8;
	[tilespmem:$0x1D400] =	vst v63  }
0x1d9: {  	s4 =	simm.s32 $0xD400;
	s1 =	sld [smem:$0x7BB]  }
0x1da: {  	[tilespmem:s4], [sflag:$0x1] =	stream.indirect.gather [hbm4b:s3+s5], $0x20, s0, s5, $0xb8;
	[tilespmem:$0x1D400] =	vst v63  }
0x1db: {  	s7 =	simm.s32 $0xE400;
	s4 =	sld [smem:$0x7BC]  }
0x1dc: {  	[tilespmem:s7], [sflag:$0x1] =	stream.indirect.gather [hbm4b:s3+s5], $0x20, s1, s5, $0xb8;
	[tilespmem:$0x1D400] =	vst v63  }
0x1dd: {  	s26 =	simm.s32 $0xF400;
	s14 =	simm.s32 $0x2  }
0x1de: {  	[tilespmem:s26], [sflag:$0x1] =	stream.indirect.gather [hbm4b:s3+s5], $0x20, s4, s5, $0xb8;
	[tilespmem:$0x1D400] =	vst v63  }
0x1df: {  	_ =	swait.ge [sflag:s14], $0xD000  }
0x1e0: {  	[sflag:s14] =	ssyncset.done $0x0  }
0x1e1: {  	s9 =	simm.s32 $0x4;
	s6 =	rddreg [dreg:$0x4];
	[sflag:s14] =	ssyncadd.s32 $0xFFFF3000  }
0x1e2: {  	[hbm4b:s6+s8] =	stream.linear.scatter [tilespmem:s18], [sflag:$0x4], $0xD000, $0x38;
	[tilespmem:$0x1D400] =	vst v63  }
0x1e3: {  	_ =	swait.ge [sflag:s9], $0xD000  }
0x1e4: {  	s7 =	sld [smem:$0x7BD]  }
0x1e5: {  	[sflag:s9] =	ssyncset.done $0x0  }
0x1e6: {  	s12 =	sld [smem:$0x7BE];
	[sflag:s9] =	ssyncadd.s32 $0xFFFF3000  }
0x1e7: {  	[tilespmem:s18], [sflag:$0x2] =	stream.indirect.gather [hbm4b:s3+s5], $0x20, s7, s5, $0xb8;
	[tilespmem:$0x1D400] =	vst v63  }
0x1e8: {  	s6 =	simm.s32 $0x11400;
	s17 =	sld [smem:$0x7BF]  }
0x1e9: {  	[tilespmem:s6], [sflag:$0x2] =	stream.indirect.gather [hbm4b:s3+s5], $0x20, s12, s5, $0xb8;
	[tilespmem:$0x1D400] =	vst v63  }
0x1ea: {  	s26 =	sld [smem:$0x7C0];
	s7 =	simm.s32 $0x12400  }
0x1eb: {  	[tilespmem:s7], [sflag:$0x2] =	stream.indirect.gather [hbm4b:s3+s5], $0x20, s17, s5, $0xb8;
	[tilespmem:$0x1D400] =	vst v63  }
0x1ec: {  	s4 =	simm.s32 $0x13400;
	s29 =	sld [smem:$0x7C1]  }
0x1ed: {  	[tilespmem:s4], [sflag:$0x2] =	stream.indirect.gather [hbm4b:s3+s5], $0x20, s26, s5, $0xb8;
	[tilespmem:$0x1D400] =	vst v63  }
0x1ee: {  	s30 =	sld [smem:$0x7C2];
	s26 =	simm.s32 $0x14400  }
0x1ef: {  	[tilespmem:s26], [sflag:$0x2] =	stream.indirect.gather [hbm4b:s3+s5], $0x20, s29, s5, $0xb8;
	[tilespmem:$0x1D400] =	vst v63  }
0x1f0: {  	s2 =	simm.s32 $0x15400;
	s31 =	sld [smem:$0x7C3]  }
0x1f1: {  	[tilespmem:s2], [sflag:$0x2] =	stream.indirect.gather [hbm4b:s3+s5], $0x20, s30, s5, $0xb8;
	[tilespmem:$0x1D400] =	vst v63  }
0x1f2: {  	s0 =	sld [smem:$0x7C4];
	s29 =	simm.s32 $0x16400  }
0x1f3: {  	[tilespmem:s29], [sflag:$0x2] =	stream.indirect.gather [hbm4b:s3+s5], $0x20, s31, s5, $0xb8;
	[tilespmem:$0x1D400] =	vst v63  }
0x1f4: {  	s1 =	sld [smem:$0x7C5];
	s30 =	simm.s32 $0x17400  }
0x1f5: {  	[tilespmem:s30], [sflag:$0x2] =	stream.indirect.gather [hbm4b:s3+s5], $0x20, s0, s5, $0xb8;
	[tilespmem:$0x1D400] =	vst v63  }
0x1f6: {  	s12 =	sld [smem:$0x7C6];
	s2 =	simm.s32 $0x18400  }
0x1f7: {  	[tilespmem:s2], [sflag:$0x2] =	stream.indirect.gather [hbm4b:s3+s5], $0x20, s1, s5, $0xb8;
	[tilespmem:$0x1D400] =	vst v63  }
0x1f8: {  	s31 =	sld [smem:$0x7C7];
	s1 =	simm.s32 $0x19400  }
0x1f9: {  	[tilespmem:s1], [sflag:$0x2] =	stream.indirect.gather [hbm4b:s3+s5], $0x20, s12, s5, $0xb8;
	[tilespmem:$0x1D400] =	vst v63  }
0x1fa: {  	s16 =	sld [smem:$0x7C8];
	s0 =	simm.s32 $0x1A400  }
0x1fb: {  	[tilespmem:s0], [sflag:$0x2] =	stream.indirect.gather [hbm4b:s3+s5], $0x20, s31, s5, $0xb8;
	[tilespmem:$0x1D400] =	vst v63  }
0x1fc: {  	s12 =	sld [smem:$0x7C9];
	s31 =	simm.s32 $0x1B400  }
0x1fd: {  	[tilespmem:s31], [sflag:$0x2] =	stream.indirect.gather [hbm4b:s3+s5], $0x20, s16, s5, $0xb8;
	[tilespmem:$0x1D400] =	vst v63  }
0x1fe: {  	s11 =	simm.s32 $0x1C400;
	s14 =	simm.s32 $0x1  }
0x1ff: {  	[tilespmem:s11], [sflag:$0x2] =	stream.indirect.gather [hbm4b:s3+s5], $0x20, s12, s5, $0xb8;
	[tilespmem:$0x1D400] =	vst v63  }
0x200: {  	_ =	swait.ge [sflag:s14], $0xD000  }
0x201: {  	[sflag:s14] =	ssyncset.done $0x0  }
0x202: {  	s16 =	rddreg [dreg:$0x5];
	[sflag:s14] =	ssyncadd.s32 $0xFFFF3000  }
0x203: {  	[hbm4b:s16+s8] =	stream.linear.scatter [tilespmem:s28], [sflag:$0x3], $0xD000, $0x38;
	[tilespmem:$0x1D400] =	vst v63  }
0x204: {  	_ =	swait.ge [sflag:s10], $0xD000  }
0x205: {  	s11 =	sld [smem:$0x7CA]  }
0x206: {  	[sflag:s10] =	ssyncset.done $0x0  }
0x207: {  	s16 =	sld [smem:$0x7CB];
	[sflag:s10] =	ssyncadd.s32 $0xFFFF3000  }
0x208: {  	[tilespmem:s28], [sflag:$0x1] =	stream.indirect.gather [hbm4b:s3+s5], $0x20, s11, s5, $0xb8;
	[tilespmem:$0x1D400] =	vst v63  }
0x209: {  	s15 =	sld [smem:$0x7CC];
	s11 =	simm.s32 $0x4400  }
0x20a: {  	[tilespmem:s11], [sflag:$0x1] =	stream.indirect.gather [hbm4b:s3+s5], $0x20, s16, s5, $0xb8;
	[tilespmem:$0x1D400] =	vst v63  }
0x20b: {  	s16 =	sld [smem:$0x7CD];
	s11 =	simm.s32 $0x5400  }
0x20c: {  	[tilespmem:s11], [sflag:$0x1] =	stream.indirect.gather [hbm4b:s3+s5], $0x20, s15, s5, $0xb8;
	[tilespmem:$0x1D400] =	vst v63  }
0x20d: {  	s15 =	sld [smem:$0x7CE];
	s11 =	simm.s32 $0x6400  }
0x20e: {  	[tilespmem:s11], [sflag:$0x1] =	stream.indirect.gather [hbm4b:s3+s5], $0x20, s16, s5, $0xb8;
	[tilespmem:$0x1D400] =	vst v63  }
0x20f: {  	s16 =	sld [smem:$0x7CF];
	s11 =	simm.s32 $0x7400  }
0x210: {  	[tilespmem:s11], [sflag:$0x1] =	stream.indirect.gather [hbm4b:s3+s5], $0x20, s15, s5, $0xb8;
	[tilespmem:$0x1D400] =	vst v63  }
0x211: {  	s15 =	sld [smem:$0x7D0];
	s11 =	simm.s32 $0x8400  }
0x212: {  	[tilespmem:s11], [sflag:$0x1] =	stream.indirect.gather [hbm4b:s3+s5], $0x20, s16, s5, $0xb8;
	[tilespmem:$0x1D400] =	vst v63  }
0x213: {  	s25 =	simm.s32 $0x9400;
	s16 =	sld [smem:$0x7D1]  }
0x214: {  	[tilespmem:s25], [sflag:$0x1] =	stream.indirect.gather [hbm4b:s3+s5], $0x20, s15, s5, $0xb8;
	[tilespmem:$0x1D400] =	vst v63  }
0x215: {  	s24 =	simm.s32 $0xA400;
	s11 =	sld [smem:$0x7D2]  }
0x216: {  	[tilespmem:s24], [sflag:$0x1] =	stream.indirect.gather [hbm4b:s3+s5], $0x20, s16, s5, $0xb8;
	[tilespmem:$0x1D400] =	vst v63  }
0x217: {  	s22 =	simm.s32 $0xB400;
	s16 =	sld [smem:$0x7D3]  }
0x218: {  	[tilespmem:s22], [sflag:$0x1] =	stream.indirect.gather [hbm4b:s3+s5], $0x20, s11, s5, $0xb8;
	[tilespmem:$0x1D400] =	vst v63  }
0x219: {  	s20 =	simm.s32 $0xC400;
	s11 =	sld [smem:$0x7D4]  }
0x21a: {  	[tilespmem:s20], [sflag:$0x1] =	stream.indirect.gather [hbm4b:s3+s5], $0x20, s16, s5, $0xb8;
	[tilespmem:$0x1D400] =	vst v63  }
0x21b: {  	s19 =	simm.s32 $0xD400;
	s16 =	sld [smem:$0x7D5]  }
0x21c: {  	[tilespmem:s19], [sflag:$0x1] =	stream.indirect.gather [hbm4b:s3+s5], $0x20, s11, s5, $0xb8;
	[tilespmem:$0x1D400] =	vst v63  }
0x21d: {  	s21 =	simm.s32 $0xE400;
	s11 =	sld [smem:$0x7D6]  }
0x21e: {  	[tilespmem:s21], [sflag:$0x1] =	stream.indirect.gather [hbm4b:s3+s5], $0x20, s16, s5, $0xb8;
	[tilespmem:$0x1D400] =	vst v63  }
0x21f: {  	s23 =	simm.s32 $0xF400;
	s10 =	simm.s32 $0x2  }
0x220: {  	[tilespmem:s23], [sflag:$0x1] =	stream.indirect.gather [hbm4b:s3+s5], $0x20, s11, s5, $0xb8;
	[tilespmem:$0x1D400] =	vst v63  }
0x221: {  	_ =	swait.ge [sflag:s10], $0xD000  }
0x222: {  	[sflag:s10] =	ssyncset.done $0x0  }
0x223: {  	s11 =	rddreg [dreg:$0x6];
	[sflag:s10] =	ssyncadd.s32 $0xFFFF3000  }
0x224: {  	[hbm4b:s11+s8] =	stream.linear.scatter [tilespmem:s18], [sflag:$0x4], $0xD000, $0x38;
	[tilespmem:$0x1D400] =	vst v63  }
0x225: {  	_ =	swait.ge [sflag:s9], $0xD000  }
0x226: {  	s16 =	sld [smem:$0x7D7]  }
0x227: {  	[sflag:s9] =	ssyncset.done $0x0  }
0x228: {  	s11 =	sld [smem:$0x7D8];
	[sflag:s9] =	ssyncadd.s32 $0xFFFF3000  }
0x229: {  	[tilespmem:s18], [sflag:$0x2] =	stream.indirect.gather [hbm4b:s3+s5], $0x20, s16, s5, $0xb8;
	[tilespmem:$0x1D400] =	vst v63  }
0x22a: {  	s15 =	sld [smem:$0x7D9]  }
0x22b: {  	[tilespmem:s6], [sflag:$0x2] =	stream.indirect.gather [hbm4b:s3+s5], $0x20, s11, s5, $0xb8;
	[tilespmem:$0x1D400] =	vst v63  }
0x22c: {  	s6 =	sld [smem:$0x7DA]  }
0x22d: {  	[tilespmem:s7], [sflag:$0x2] =	stream.indirect.gather [hbm4b:s3+s5], $0x20, s15, s5, $0xb8;
	[tilespmem:$0x1D400] =	vst v63  }
0x22e: {  	s15 =	sld [smem:$0x7DB]  }
0x22f: {  	[tilespmem:s4], [sflag:$0x2] =	stream.indirect.gather [hbm4b:s3+s5], $0x20, s6, s5, $0xb8;
	[tilespmem:$0x1D400] =	vst v63  }
0x230: {  	s16 =	sld [smem:$0x7DC]  }
0x231: {  	[tilespmem:s26], [sflag:$0x2] =	stream.indirect.gather [hbm4b:s3+s5], $0x20, s15, s5, $0xb8;
	[tilespmem:$0x1D400] =	vst v63  }
0x232: {  	s17 =	simm.s32 $0x15400;
	s4 =	sld [smem:$0x7DD]  }
0x233: {  	[tilespmem:s17], [sflag:$0x2] =	stream.indirect.gather [hbm4b:s3+s5], $0x20, s16, s5, $0xb8;
	[tilespmem:$0x1D400] =	vst v63  }
0x234: {  	s16 =	sld [smem:$0x7DE]  }
0x235: {  	[tilespmem:s29], [sflag:$0x2] =	stream.indirect.gather [hbm4b:s3+s5], $0x20, s4, s5, $0xb8;
	[tilespmem:$0x1D400] =	vst v63  }
0x236: {  	s4 =	sld [smem:$0x7DF]  }
0x237: {  	[tilespmem:s30], [sflag:$0x2] =	stream.indirect.gather [hbm4b:s3+s5], $0x20, s16, s5, $0xb8;
	[tilespmem:$0x1D400] =	vst v63  }
0x238: {  	s16 =	sld [smem:$0x7E0]  }
0x239: {  	[tilespmem:s2], [sflag:$0x2] =	stream.indirect.gather [hbm4b:s3+s5], $0x20, s4, s5, $0xb8;
	[tilespmem:$0x1D400] =	vst v63  }
0x23a: {  	s2 =	sld [smem:$0x7E1]  }
0x23b: {  	[tilespmem:s1], [sflag:$0x2] =	stream.indirect.gather [hbm4b:s3+s5], $0x20, s16, s5, $0xb8;
	[tilespmem:$0x1D400] =	vst v63  }
0x23c: {  	s16 =	sld [smem:$0x7E2]  }
0x23d: {  	[tilespmem:s0], [sflag:$0x2] =	stream.indirect.gather [hbm4b:s3+s5], $0x20, s2, s5, $0xb8;
	[tilespmem:$0x1D400] =	vst v63  }
0x23e: {  	s2 =	sld [smem:$0x7E3]  }
0x23f: {  	[tilespmem:s31], [sflag:$0x2] =	stream.indirect.gather [hbm4b:s3+s5], $0x20, s16, s5, $0xb8;
	[tilespmem:$0x1D400] =	vst v63  }
0x240: {  	s12 =	simm.s32 $0x1C400  }
0x241: {  	[tilespmem:s12], [sflag:$0x2] =	stream.indirect.gather [hbm4b:s3+s5], $0x20, s2, s5, $0xb8;
	[tilespmem:$0x1D400] =	vst v63  }
0x242: {  	_ =	swait.ge [sflag:s14], $0xD000  }
0x243: {  	[sflag:s14] =	ssyncset.done $0x0  }
0x244: {  	s9 =	simm.s32 $0x3;
	s16 =	rddreg [dreg:$0x7];
	[sflag:s14] =	ssyncadd.s32 $0xFFFF3000  }
0x245: {  	[hbm4b:s16+s8] =	stream.linear.scatter [tilespmem:s28], [sflag:$0x3], $0xD000, $0x38;
	[tilespmem:$0x1D400] =	vst v63  }
0x246: {  	_ =	swait.ge [sflag:s9], $0xD000  }
0x247: {  	s2 =	sld [smem:$0x7E4]  }
0x248: {  	[sflag:s9] =	ssyncset.done $0x0  }
0x249: {  	s16 =	sld [smem:$0x7E5];
	[sflag:s9] =	ssyncadd.s32 $0xFFFF3000  }
0x24a: {  	[tilespmem:s28], [sflag:$0x1] =	stream.indirect.gather [hbm4b:s3+s5], $0x20, s2, s5, $0xb8;
	[tilespmem:$0x1D400] =	vst v63  }
0x24b: {  	s15 =	sld [smem:$0x7E6];
	s2 =	simm.s32 $0x4400  }
0x24c: {  	[tilespmem:s2], [sflag:$0x1] =	stream.indirect.gather [hbm4b:s3+s5], $0x20, s16, s5, $0xb8;
	[tilespmem:$0x1D400] =	vst v63  }
0x24d: {  	s16 =	sld [smem:$0x7E7];
	s2 =	simm.s32 $0x5400  }
0x24e: {  	[tilespmem:s2], [sflag:$0x1] =	stream.indirect.gather [hbm4b:s3+s5], $0x20, s15, s5, $0xb8;
	[tilespmem:$0x1D400] =	vst v63  }
0x24f: {  	s15 =	sld [smem:$0x7E8];
	s2 =	simm.s32 $0x6400  }
0x250: {  	[tilespmem:s2], [sflag:$0x1] =	stream.indirect.gather [hbm4b:s3+s5], $0x20, s16, s5, $0xb8;
	[tilespmem:$0x1D400] =	vst v63  }
0x251: {  	s16 =	sld [smem:$0x7E9];
	s2 =	simm.s32 $0x7400  }
0x252: {  	[tilespmem:s2], [sflag:$0x1] =	stream.indirect.gather [hbm4b:s3+s5], $0x20, s15, s5, $0xb8;
	[tilespmem:$0x1D400] =	vst v63  }
0x253: {  	s15 =	sld [smem:$0x7EA];
	s2 =	simm.s32 $0x8400  }
0x254: {  	[tilespmem:s2], [sflag:$0x1] =	stream.indirect.gather [hbm4b:s3+s5], $0x20, s16, s5, $0xb8;
	[tilespmem:$0x1D400] =	vst v63  }
0x255: {  	s25 =	simm.s32 $0x9400;
	s16 =	sld [smem:$0x7EB]  }
0x256: {  	[tilespmem:s25], [sflag:$0x1] =	stream.indirect.gather [hbm4b:s3+s5], $0x20, s15, s5, $0xb8;
	[tilespmem:$0x1D400] =	vst v63  }
0x257: {  	s24 =	simm.s32 $0xA400;
	s2 =	sld [smem:$0x7EC]  }
0x258: {  	[tilespmem:s24], [sflag:$0x1] =	stream.indirect.gather [hbm4b:s3+s5], $0x20, s16, s5, $0xb8;
	[tilespmem:$0x1D400] =	vst v63  }
0x259: {  	s22 =	simm.s32 $0xB400;
	s25 =	sld [smem:$0x7ED]  }
0x25a: {  	[tilespmem:s22], [sflag:$0x1] =	stream.indirect.gather [hbm4b:s3+s5], $0x20, s2, s5, $0xb8;
	[tilespmem:$0x1D400] =	vst v63  }
0x25b: {  	s20 =	simm.s32 $0xC400;
	s2 =	sld [smem:$0x7EE]  }
0x25c: {  	[tilespmem:s20], [sflag:$0x1] =	stream.indirect.gather [hbm4b:s3+s5], $0x20, s25, s5, $0xb8;
	[tilespmem:$0x1D400] =	vst v63  }
0x25d: {  	s19 =	simm.s32 $0xD400;
	s20 =	sld [smem:$0x7EF]  }
0x25e: {  	[tilespmem:s19], [sflag:$0x1] =	stream.indirect.gather [hbm4b:s3+s5], $0x20, s2, s5, $0xb8;
	[tilespmem:$0x1D400] =	vst v63  }
0x25f: {  	s21 =	simm.s32 $0xE400;
	s22 =	sld [smem:$0x7F0]  }
0x260: {  	[tilespmem:s21], [sflag:$0x1] =	stream.indirect.gather [hbm4b:s3+s5], $0x20, s20, s5, $0xb8;
	[tilespmem:$0x1D400] =	vst v63  }
0x261: {  	s23 =	simm.s32 $0xF400  }
0x262: {  	[tilespmem:s23], [sflag:$0x1] =	stream.indirect.gather [hbm4b:s3+s5], $0x20, s22, s5, $0xb8;
	[tilespmem:$0x1D400] =	vst v63  }
0x263: {  	_ =	swait.ge [sflag:s10], $0xD000  }
0x264: {  	[sflag:s10] =	ssyncset.done $0x0  }
0x265: {  	s23 =	rddreg [dreg:$0x8];
	[sflag:s10] =	ssyncadd.s32 $0xFFFF3000  }
0x266: {  	[hbm4b:s23+s8] =	stream.linear.scatter [tilespmem:s18], [sflag:$0x4], $0xD000, $0x38;
	[tilespmem:$0x1D400] =	vst v63  }
0x267: {  	s8 =	simm.s32 $0x4  }
0x268: {  	_ =	swait.ge [sflag:s8], $0xD000  }
0x269: {  	s24 =	sld [smem:$0x7F1]  }
0x26a: {  	[sflag:s8] =	ssyncset.done $0x0  }
0x26b: {  	s25 =	sld [smem:$0x7F2];
	[sflag:s8] =	ssyncadd.s32 $0xFFFF3000  }
0x26c: {  	[tilespmem:s18], [sflag:$0x2] =	stream.indirect.gather [hbm4b:s3+s5], $0x20, s24, s5, $0xb8;
	[tilespmem:$0x1D400] =	vst v63  }
0x26d: {  	s11 =	simm.s32 $0x11400;
	s2 =	sld [smem:$0x7F3]  }
0x26e: {  	[tilespmem:s11], [sflag:$0x2] =	stream.indirect.gather [hbm4b:s3+s5], $0x20, s25, s5, $0xb8;
	[tilespmem:$0x1D400] =	vst v63  }
0x26f: {  	s7 =	simm.s32 $0x12400;
	s11 =	sld [smem:$0x7F4]  }
0x270: {  	[tilespmem:s7], [sflag:$0x2] =	stream.indirect.gather [hbm4b:s3+s5], $0x20, s2, s5, $0xb8;
	[tilespmem:$0x1D400] =	vst v63  }
0x271: {  	s6 =	simm.s32 $0x13400;
	s19 =	sld [smem:$0x7F5]  }
0x272: {  	[tilespmem:s6], [sflag:$0x2] =	stream.indirect.gather [hbm4b:s3+s5], $0x20, s11, s5, $0xb8;
	[tilespmem:$0x1D400] =	vst v63  }
0x273: {  	s26 =	simm.s32 $0x14400;
	s20 =	sld [smem:$0x7F6]  }
0x274: {  	[tilespmem:s26], [sflag:$0x2] =	stream.indirect.gather [hbm4b:s3+s5], $0x20, s19, s5, $0xb8;
	[tilespmem:$0x1D400] =	vst v63  }
0x275: {  	s17 =	simm.s32 $0x15400;
	s21 =	sld [smem:$0x7F7]  }
0x276: {  	[tilespmem:s17], [sflag:$0x2] =	stream.indirect.gather [hbm4b:s3+s5], $0x20, s20, s5, $0xb8;
	[tilespmem:$0x1D400] =	vst v63  }
0x277: {  	s29 =	simm.s32 $0x16400;
	s22 =	sld [smem:$0x7F8]  }
0x278: {  	[tilespmem:s29], [sflag:$0x2] =	stream.indirect.gather [hbm4b:s3+s5], $0x20, s21, s5, $0xb8;
	[tilespmem:$0x1D400] =	vst v63  }
0x279: {  	s30 =	simm.s32 $0x17400;
	s23 =	sld [smem:$0x7F9]  }
0x27a: {  	[tilespmem:s30], [sflag:$0x2] =	stream.indirect.gather [hbm4b:s3+s5], $0x20, s22, s5, $0xb8;
	[tilespmem:$0x1D400] =	vst v63  }
0x27b: {  	s4 =	simm.s32 $0x18400;
	s24 =	sld [smem:$0x7FA]  }
0x27c: {  	[tilespmem:s4], [sflag:$0x2] =	stream.indirect.gather [hbm4b:s3+s5], $0x20, s23, s5, $0xb8;
	[tilespmem:$0x1D400] =	vst v63  }
0x27d: {  	s1 =	simm.s32 $0x19400;
	s25 =	sld [smem:$0x7FB]  }
0x27e: {  	[tilespmem:s1], [sflag:$0x2] =	stream.indirect.gather [hbm4b:s3+s5], $0x20, s24, s5, $0xb8;
	[tilespmem:$0x1D400] =	vst v63  }
0x27f: {  	s0 =	simm.s32 $0x1A400;
	s26 =	sld [smem:$0x7FC]  }
0x280: {  	[tilespmem:s0], [sflag:$0x2] =	stream.indirect.gather [hbm4b:s3+s5], $0x20, s25, s5, $0xb8;
	[tilespmem:$0x1D400] =	vst v63  }
0x281: {  	s31 =	simm.s32 $0x1B400;
	s29 =	sld [smem:$0x7FD]  }
0x282: {  	[tilespmem:s31], [sflag:$0x2] =	stream.indirect.gather [hbm4b:s3+s5], $0x20, s26, s5, $0xb8;
	[tilespmem:$0x1D400] =	vst v63  }
0x283: {  	s12 =	simm.s32 $0x1C400  }
0x284: {  	[tilespmem:s12], [sflag:$0x2] =	stream.indirect.gather [hbm4b:s3+s5], $0x20, s29, s5, $0xb8;
	[tilespmem:$0x1D400] =	vst v63  }
0x285: {  	_ =	swait.ge [sflag:s14], $0xD000  }
0x286: {  	[sflag:s14] =	ssyncset.done $0x0  }
0x287: {  	s2 =	simm.s32 $0x0;
	s30 =	rddreg [dreg:$0x9];
	[sflag:s14] =	ssyncadd.s32 $0xFFFF3000  }
0x288: {  	[hbm4b:s30+s2] =	stream.linear.scatter [tilespmem:s28], [sflag:$0x3], $0xD000, $0x38;
	[tilespmem:$0x1D400] =	vst v63  }
0x289: {  	_ =	swait.ge [sflag:s10], $0xD000  }
0x28a: {  	[sflag:s10] =	ssyncset.done $0x0  }
0x28b: {  	p1 =	sne.s32 s13, $0x1;
	s31 =	rddreg [dreg:$0xa];
	[sflag:s10] =	ssyncadd.s32 $0xFFFF3000  }
0x28c: {  	[hbm4b:s31+s2] =	stream.linear.scatter [tilespmem:s18], [sflag:$0x4], $0xD000, $0x38;
	[tilespmem:$0x1D400] =	vst v63  }
.Ltmp2:
0x28d: {  	_ =	swait.ge [sflag:s9], $0xD000;
	(pc) =	sbr.rel @p1 .LBB2_4-.Ltmp2, $4  }
0x28e: {  	[sflag:s9] =	ssyncset.done $0x0  }
0x28f: {  	[sflag:s9] =	ssyncadd.s32 $0xFFFF3000  }
0x290: {  	_ =	swait.ge [sflag:s8], $0xD000  }
0x291: {  	s13 =	sadd.s32 $0xFFFFFFFF, s13;
	s15 =	rddreg [dreg:$0x3];
	[sflag:s8] =	ssyncset.done $0x0  }
0x292: {  	s16 =	sld [smem:$0x7AC];
	s25 =	simm.s32 $0xA400;
	s26 =	simm.s32 $0x12400  }
0x293: {  	s28 =	simm.s32 $0x1A400;
	s29 =	simm.s32 $0xB400;
	s1 =	simm.s32 $0x19400  }
0x294: {  	s31 =	simm.s32 $0xC400;
	s0 =	simm.s32 $0x18400;
	s6 =	simm.s32 $0x14400  }
0x295: {  	s23 =	simm.s32 $0x17400;
	s7 =	simm.s32 $0x3400;
	s30 =	simm.s32 $0x10400  }
.LBB2_6:
0x296: {  	[sflag:s8] =	ssyncadd.s32 @p0 $0xFFFF3000;
	s4 =	simm.s32 $0x5  }
0x297: {  	[tilespmem:s2], [sflag:$0x5] =	stream.linear.gather [hbm4b:s15+s2], $0x3400, $0x38;
	[tilespmem:$0x1D400] =	vst v63  }
0x298: {  	_ =	swait.ge [sflag:s4], $0x3400  }
0x299: {  	[sflag:s4] =	ssyncset.done $0x0  }
0x29a: {  	[sflag:s4] =	ssyncadd.s32 $0xFFFFCC00  }
0x29b: {  	[tilespmem:s7], [sflag:$0x1] =	stream.indirect.gather [hbm4b:s3+s5], $0x20, s2, s5, $0xb8;
	[tilespmem:$0x1D400] =	vst v63  }
0x29c: {  	s11 =	simm.s32 $0x4400;
	s13 =	rddreg [dreg:$0xb]  }
0x29d: {  	[tilespmem:s11], [sflag:$0x1] =	stream.indirect.gather [hbm4b:s3+s5], $0x20, s5, s5, $0xb8;
	[tilespmem:$0x1D400] =	vst v63  }
0x29e: {  	s17 =	simm.s32 $0x5400;
	s12 =	rddreg [dreg:$0xc]  }
0x29f: {  	[tilespmem:s17], [sflag:$0x1] =	stream.indirect.gather [hbm4b:s3+s5], $0x20, s13, s5, $0xb8;
	[tilespmem:$0x1D400] =	vst v63  }
0x2a0: {  	s19 =	simm.s32 $0x6400;
	s18 =	rddreg [dreg:$0xd]  }
0x2a1: {  	[tilespmem:s19], [sflag:$0x1] =	stream.indirect.gather [hbm4b:s3+s5], $0x20, s12, s5, $0xb8;
	[tilespmem:$0x1D400] =	vst v63  }
0x2a2: {  	s21 =	simm.s32 $0x7400;
	s20 =	rddreg [dreg:$0xe]  }
0x2a3: {  	[tilespmem:s21], [sflag:$0x1] =	stream.indirect.gather [hbm4b:s3+s5], $0x20, s18, s5, $0xb8;
	[tilespmem:$0x1D400] =	vst v63  }
0x2a4: {  	s24 =	simm.s32 $0x8400;
	s22 =	rddreg [dreg:$0xf]  }
0x2a5: {  	[tilespmem:s24], [sflag:$0x1] =	stream.indirect.gather [hbm4b:s3+s5], $0x20, s20, s5, $0xb8;
	[tilespmem:$0x1D400] =	vst v63  }
0x2a6: {  	s4 =	rddreg [dreg:$0x19];
	s11 =	simm.s32 $0x9400  }
0x2a7: {  	[tilespmem:s11], [sflag:$0x1] =	stream.indirect.gather [hbm4b:s3+s5], $0x20, s22, s5, $0xb8;
	[tilespmem:$0x1D400] =	vst v63  }
0x2a8: {  	s7 =	rddreg [dreg:$0x10]  }
0x2a9: {  	[tilespmem:s25], [sflag:$0x1] =	stream.indirect.gather [hbm4b:s3+s5], $0x20, s7, s5, $0xb8;
	[tilespmem:$0x1D400] =	vst v63  }
0x2aa: {  	s12 =	rddreg [dreg:$0x11]  }
0x2ab: {  	[tilespmem:s29], [sflag:$0x1] =	stream.indirect.gather [hbm4b:s3+s5], $0x20, s12, s5, $0xb8;
	[tilespmem:$0x1D400] =	vst v63  }
0x2ac: {  	s17 =	rddreg [dreg:$0x12]  }
0x2ad: {  	[tilespmem:s31], [sflag:$0x1] =	stream.indirect.gather [hbm4b:s3+s5], $0x20, s17, s5, $0xb8;
	[tilespmem:$0x1D400] =	vst v63  }
0x2ae: {  	s18 =	rddreg [dreg:$0x13];
	s20 =	simm.s32 $0xD400  }
0x2af: {  	[tilespmem:s20], [sflag:$0x1] =	stream.indirect.gather [hbm4b:s3+s5], $0x20, s18, s5, $0xb8;
	[tilespmem:$0x1D400] =	vst v63  }
0x2b0: {  	s19 =	rddreg [dreg:$0x14];
	s31 =	simm.s32 $0xE400  }
0x2b1: {  	[tilespmem:s31], [sflag:$0x1] =	stream.indirect.gather [hbm4b:s3+s5], $0x20, s19, s5, $0xb8;
	[tilespmem:$0x1D400] =	vst v63  }
0x2b2: {  	s21 =	rddreg [dreg:$0x15];
	s29 =	simm.s32 $0xF400  }
0x2b3: {  	[tilespmem:s29], [sflag:$0x1] =	stream.indirect.gather [hbm4b:s3+s5], $0x20, s21, s5, $0xb8;
	[tilespmem:$0x1D400] =	vst v63  }
0x2b4: {  	s22 =	rddreg [dreg:$0x16]  }
0x2b5: {  	[tilespmem:s30], [sflag:$0x2] =	stream.indirect.gather [hbm4b:s3+s5], $0x20, s22, s5, $0xb8;
	[tilespmem:$0x1D400] =	vst v63  }
0x2b6: {  	s24 =	rddreg [dreg:$0x17];
	s30 =	simm.s32 $0x11400  }
0x2b7: {  	[tilespmem:s30], [sflag:$0x2] =	stream.indirect.gather [hbm4b:s3+s5], $0x20, s24, s5, $0xb8;
	[tilespmem:$0x1D400] =	vst v63  }
0x2b8: {  	s25 =	rddreg [dreg:$0x18]  }
0x2b9: {  	[tilespmem:s26], [sflag:$0x2] =	stream.indirect.gather [hbm4b:s3+s5], $0x20, s25, s5, $0xb8;
	[tilespmem:$0x1D400] =	vst v63  }
0x2ba: {  	s11 =	rddreg [dreg:$0x1b];
	s30 =	simm.s32 $0x13400  }
0x2bb: {  	[tilespmem:s30], [sflag:$0x2] =	stream.indirect.gather [hbm4b:s3+s5], $0x20, s4, s5, $0xb8;
	[tilespmem:$0x1D400] =	vst v63  }
0x2bc: {  	s7 =	rddreg [dreg:$0x1a]  }
0x2bd: {  	[tilespmem:s6], [sflag:$0x2] =	stream.indirect.gather [hbm4b:s3+s5], $0x20, s7, s5, $0xb8;
	[tilespmem:$0x1D400] =	vst v63  }
0x2be: {  	s12 =	rddreg [dreg:$0x1c];
	s17 =	simm.s32 $0x15400  }
0x2bf: {  	[tilespmem:s17], [sflag:$0x2] =	stream.indirect.gather [hbm4b:s3+s5], $0x20, s11, s5, $0xb8;
	[tilespmem:$0x1D400] =	vst v63  }
0x2c0: {  	s19 =	rddreg [dreg:$0x1d];
	s21 =	simm.s32 $0x16400  }
0x2c1: {  	[tilespmem:s21], [sflag:$0x2] =	stream.indirect.gather [hbm4b:s3+s5], $0x20, s12, s5, $0xb8;
	[tilespmem:$0x1D400] =	vst v63  }
0x2c2: {  	s22 =	rddreg [dreg:$0x1e]  }
0x2c3: {  	[tilespmem:s23], [sflag:$0x2] =	stream.indirect.gather [hbm4b:s3+s5], $0x20, s19, s5, $0xb8;
	[tilespmem:$0x1D400] =	vst v63  }
0x2c4: {  	s24 =	rddreg [dreg:$0x1f]  }
0x2c5: {  	[tilespmem:s0], [sflag:$0x2] =	stream.indirect.gather [hbm4b:s3+s5], $0x20, s22, s5, $0xb8;
	[tilespmem:$0x1D400] =	vst v63  }
0x2c6: {  	s25 =	sld [smem:$0x7AD]  }
0x2c7: {  	[tilespmem:s1], [sflag:$0x2] =	stream.indirect.gather [hbm4b:s3+s5], $0x20, s24, s5, $0xb8;
	[tilespmem:$0x1D400] =	vst v63  }
0x2c8: {  	s26 =	sld [smem:$0x7AE]  }
0x2c9: {  	[tilespmem:s28], [sflag:$0x2] =	stream.indirect.gather [hbm4b:s3+s5], $0x20, s25, s5, $0xb8;
	[tilespmem:$0x1D400] =	vst v63  }
0x2ca: {  	s0 =	sld [smem:$0x7AF];
	s28 =	simm.s32 $0x1B400  }
0x2cb: {  	[tilespmem:s28], [sflag:$0x2] =	stream.indirect.gather [hbm4b:s3+s5], $0x20, s26, s5, $0xb8;
	[tilespmem:$0x1D400] =	vst v63  }
0x2cc: {  	s4 =	simm.s32 $0x1C400  }
0x2cd: {  	[tilespmem:s4], [sflag:$0x2] =	stream.indirect.gather [hbm4b:s3+s5], $0x20, s0, s5, $0xb8;
	[tilespmem:$0x1D400] =	vst v63  }
0x2ce: {  	_ =	swait.ge [sflag:s14], $0xD000  }
0x2cf: {  	[sflag:s14] =	ssyncset.done $0x0  }
0x2d0: {  	s18 =	simm.s32 $0x3400;
	[sflag:s14] =	ssyncadd.s32 $0xFFFF3000  }
0x2d1: {  	[hbm4b:s16+s2] =	stream.linear.scatter [tilespmem:s18], [sflag:$0x3], $0xD000, $0x38;
	[tilespmem:$0x1D400] =	vst v63  }
0x2d2: {  	_ =	swait.ge [sflag:s9], $0xD000  }
0x2d3: {  	s6 =	sld [smem:$0x7B0]  }
0x2d4: {  	[sflag:s9] =	ssyncset.done $0x0  }
0x2d5: {  	s7 =	sld [smem:$0x7B1];
	[sflag:s9] =	ssyncadd.s32 $0xFFFF3000  }
0x2d6: {  	[tilespmem:s18], [sflag:$0x1] =	stream.indirect.gather [hbm4b:s3+s5], $0x20, s6, s5, $0xb8;
	[tilespmem:$0x1D400] =	vst v63  }
0x2d7: {  	s16 =	simm.s32 $0x4400;
	s17 =	sld [smem:$0x7B2]  }
0x2d8: {  	[tilespmem:s16], [sflag:$0x1] =	stream.indirect.gather [hbm4b:s3+s5], $0x20, s7, s5, $0xb8;
	[tilespmem:$0x1D400] =	vst v63  }
0x2d9: {  	s0 =	simm.s32 $0x5400;
	s4 =	sld [smem:$0x7B3]  }
0x2da: {  	[tilespmem:s0], [sflag:$0x1] =	stream.indirect.gather [hbm4b:s3+s5], $0x20, s17, s5, $0xb8;
	[tilespmem:$0x1D400] =	vst v63  }
0x2db: {  	s6 =	sld [smem:$0x7B4];
	s17 =	simm.s32 $0x6400  }
0x2dc: {  	[tilespmem:s17], [sflag:$0x1] =	stream.indirect.gather [hbm4b:s3+s5], $0x20, s4, s5, $0xb8;
	[tilespmem:$0x1D400] =	vst v63  }
0x2dd: {  	s7 =	sld [smem:$0x7B5];
	s4 =	simm.s32 $0x7400  }
0x2de: {  	[tilespmem:s4], [sflag:$0x1] =	stream.indirect.gather [hbm4b:s3+s5], $0x20, s6, s5, $0xb8;
	[tilespmem:$0x1D400] =	vst v63  }
0x2df: {  	s13 =	sld [smem:$0x7B6];
	s6 =	simm.s32 $0x8400  }
0x2e0: {  	[tilespmem:s6], [sflag:$0x1] =	stream.indirect.gather [hbm4b:s3+s5], $0x20, s7, s5, $0xb8;
	[tilespmem:$0x1D400] =	vst v63  }
0x2e1: {  	s15 =	sld [smem:$0x7B7];
	s7 =	simm.s32 $0x9400  }
0x2e2: {  	[tilespmem:s7], [sflag:$0x1] =	stream.indirect.gather [hbm4b:s3+s5], $0x20, s13, s5, $0xb8;
	[tilespmem:$0x1D400] =	vst v63  }
0x2e3: {  	s12 =	simm.s32 $0xA400;
	s13 =	sld [smem:$0x7B8]  }
0x2e4: {  	[tilespmem:s12], [sflag:$0x1] =	stream.indirect.gather [hbm4b:s3+s5], $0x20, s15, s5, $0xb8;
	[tilespmem:$0x1D400] =	vst v63  }
0x2e5: {  	s1 =	simm.s32 $0xB400;
	s12 =	sld [smem:$0x7B9]  }
0x2e6: {  	[tilespmem:s1], [sflag:$0x1] =	stream.indirect.gather [hbm4b:s3+s5], $0x20, s13, s5, $0xb8;
	[tilespmem:$0x1D400] =	vst v63  }
0x2e7: {  	s11 =	simm.s32 $0xC400;
	s13 =	sld [smem:$0x7BA]  }
0x2e8: {  	[tilespmem:s11], [sflag:$0x1] =	stream.indirect.gather [hbm4b:s3+s5], $0x20, s12, s5, $0xb8;
	[tilespmem:$0x1D400] =	vst v63  }
0x2e9: {  	s1 =	sld [smem:$0x7BB];
	s12 =	simm.s32 $0xD400  }
0x2ea: {  	[tilespmem:s12], [sflag:$0x1] =	stream.indirect.gather [hbm4b:s3+s5], $0x20, s13, s5, $0xb8;
	[tilespmem:$0x1D400] =	vst v63  }
0x2eb: {  	s11 =	sld [smem:$0x7BC]  }
0x2ec: {  	[tilespmem:s31], [sflag:$0x1] =	stream.indirect.gather [hbm4b:s3+s5], $0x20, s1, s5, $0xb8;
	[tilespmem:$0x1D400] =	vst v63  }
0x2ed: {  	_ = 	snop  }
0x2ee: {  	[tilespmem:s29], [sflag:$0x1] =	stream.indirect.gather [hbm4b:s3+s5], $0x20, s11, s5, $0xb8;
	[tilespmem:$0x1D400] =	vst v63  }
0x2ef: {  	_ =	swait.ge [sflag:s10], $0xD000  }
0x2f0: {  	[sflag:s10] =	ssyncset.done $0x0  }
0x2f1: {  	s20 =	simm.s32 $0x10400;
	s1 =	rddreg [dreg:$0x4];
	[sflag:s10] =	ssyncadd.s32 $0xFFFF3000  }
0x2f2: {  	[hbm4b:s1+s2] =	stream.linear.scatter [tilespmem:s20], [sflag:$0x4], $0xD000, $0x38;
	[tilespmem:$0x1D400] =	vst v63  }
0x2f3: {  	_ =	swait.ge [sflag:s8], $0xD000  }
0x2f4: {  	s11 =	sld [smem:$0x7BD]  }
0x2f5: {  	[sflag:s8] =	ssyncset.done $0x0  }
0x2f6: {  	s15 =	sld [smem:$0x7BE];
	[sflag:s8] =	ssyncadd.s32 $0xFFFF3000  }
0x2f7: {  	[tilespmem:s20], [sflag:$0x2] =	stream.indirect.gather [hbm4b:s3+s5], $0x20, s11, s5, $0xb8;
	[tilespmem:$0x1D400] =	vst v63  }
0x2f8: {  	s1 =	sld [smem:$0x7BF];
	s11 =	simm.s32 $0x11400  }
0x2f9: {  	[tilespmem:s11], [sflag:$0x2] =	stream.indirect.gather [hbm4b:s3+s5], $0x20, s15, s5, $0xb8;
	[tilespmem:$0x1D400] =	vst v63  }
0x2fa: {  	s19 =	simm.s32 $0x12400;
	s15 =	sld [smem:$0x7C0]  }
0x2fb: {  	[tilespmem:s19], [sflag:$0x2] =	stream.indirect.gather [hbm4b:s3+s5], $0x20, s1, s5, $0xb8;
	[tilespmem:$0x1D400] =	vst v63  }
0x2fc: {  	s1 =	sld [smem:$0x7C1]  }
0x2fd: {  	[tilespmem:s30], [sflag:$0x2] =	stream.indirect.gather [hbm4b:s3+s5], $0x20, s15, s5, $0xb8;
	[tilespmem:$0x1D400] =	vst v63  }
0x2fe: {  	s21 =	simm.s32 $0x14400;
	s19 =	sld [smem:$0x7C2]  }
0x2ff: {  	[tilespmem:s21], [sflag:$0x2] =	stream.indirect.gather [hbm4b:s3+s5], $0x20, s1, s5, $0xb8;
	[tilespmem:$0x1D400] =	vst v63  }
0x300: {  	s1 =	sld [smem:$0x7C3];
	s21 =	simm.s32 $0x15400  }
0x301: {  	[tilespmem:s21], [sflag:$0x2] =	stream.indirect.gather [hbm4b:s3+s5], $0x20, s19, s5, $0xb8;
	[tilespmem:$0x1D400] =	vst v63  }
0x302: {  	s15 =	sld [smem:$0x7C4];
	s19 =	simm.s32 $0x16400  }
0x303: {  	[tilespmem:s19], [sflag:$0x2] =	stream.indirect.gather [hbm4b:s3+s5], $0x20, s1, s5, $0xb8;
	[tilespmem:$0x1D400] =	vst v63  }
0x304: {  	s1 =	sld [smem:$0x7C5]  }
0x305: {  	[tilespmem:s23], [sflag:$0x2] =	stream.indirect.gather [hbm4b:s3+s5], $0x20, s15, s5, $0xb8;
	[tilespmem:$0x1D400] =	vst v63  }
0x306: {  	s22 =	simm.s32 $0x18400;
	s15 =	sld [smem:$0x7C6]  }
0x307: {  	[tilespmem:s22], [sflag:$0x2] =	stream.indirect.gather [hbm4b:s3+s5], $0x20, s1, s5, $0xb8;
	[tilespmem:$0x1D400] =	vst v63  }
0x308: {  	s24 =	simm.s32 $0x19400;
	s1 =	sld [smem:$0x7C7]  }
0x309: {  	[tilespmem:s24], [sflag:$0x2] =	stream.indirect.gather [hbm4b:s3+s5], $0x20, s15, s5, $0xb8;
	[tilespmem:$0x1D400] =	vst v63  }
0x30a: {  	s25 =	simm.s32 $0x1A400;
	s24 =	sld [smem:$0x7C8]  }
0x30b: {  	[tilespmem:s25], [sflag:$0x2] =	stream.indirect.gather [hbm4b:s3+s5], $0x20, s1, s5, $0xb8;
	[tilespmem:$0x1D400] =	vst v63  }
0x30c: {  	s1 =	sld [smem:$0x7C9]  }
0x30d: {  	[tilespmem:s28], [sflag:$0x2] =	stream.indirect.gather [hbm4b:s3+s5], $0x20, s24, s5, $0xb8;
	[tilespmem:$0x1D400] =	vst v63  }
0x30e: {  	s26 =	simm.s32 $0x1C400  }
0x30f: {  	[tilespmem:s26], [sflag:$0x2] =	stream.indirect.gather [hbm4b:s3+s5], $0x20, s1, s5, $0xb8;
	[tilespmem:$0x1D400] =	vst v63  }
0x310: {  	_ =	swait.ge [sflag:s14], $0xD000  }
0x311: {  	[sflag:s14] =	ssyncset.done $0x0  }
0x312: {  	s24 =	rddreg [dreg:$0x5];
	[sflag:s14] =	ssyncadd.s32 $0xFFFF3000  }
0x313: {  	[hbm4b:s24+s2] =	stream.linear.scatter [tilespmem:s18], [sflag:$0x3], $0xD000, $0x38;
	[tilespmem:$0x1D400] =	vst v63  }
0x314: {  	_ =	swait.ge [sflag:s9], $0xD000  }
0x315: {  	s25 =	sld [smem:$0x7CA]  }
0x316: {  	[sflag:s9] =	ssyncset.done $0x0  }
0x317: {  	s26 =	sld [smem:$0x7CB];
	[sflag:s9] =	ssyncadd.s32 $0xFFFF3000  }
0x318: {  	[tilespmem:s18], [sflag:$0x1] =	stream.indirect.gather [hbm4b:s3+s5], $0x20, s25, s5, $0xb8;
	[tilespmem:$0x1D400] =	vst v63  }
0x319: {  	s1 =	sld [smem:$0x7CC]  }
0x31a: {  	[tilespmem:s16], [sflag:$0x1] =	stream.indirect.gather [hbm4b:s3+s5], $0x20, s26, s5, $0xb8;
	[tilespmem:$0x1D400] =	vst v63  }
0x31b: {  	s24 =	sld [smem:$0x7CD]  }
0x31c: {  	[tilespmem:s0], [sflag:$0x1] =	stream.indirect.gather [hbm4b:s3+s5], $0x20, s1, s5, $0xb8;
	[tilespmem:$0x1D400] =	vst v63  }
0x31d: {  	s25 =	sld [smem:$0x7CE]  }
0x31e: {  	[tilespmem:s17], [sflag:$0x1] =	stream.indirect.gather [hbm4b:s3+s5], $0x20, s24, s5, $0xb8;
	[tilespmem:$0x1D400] =	vst v63  }
0x31f: {  	s26 =	sld [smem:$0x7CF]  }
0x320: {  	[tilespmem:s4], [sflag:$0x1] =	stream.indirect.gather [hbm4b:s3+s5], $0x20, s25, s5, $0xb8;
	[tilespmem:$0x1D400] =	vst v63  }
0x321: {  	s17 =	sld [smem:$0x7D0]  }
0x322: {  	[tilespmem:s6], [sflag:$0x1] =	stream.indirect.gather [hbm4b:s3+s5], $0x20, s26, s5, $0xb8;
	[tilespmem:$0x1D400] =	vst v63  }
0x323: {  	s24 =	sld [smem:$0x7D1]  }
0x324: {  	[tilespmem:s7], [sflag:$0x1] =	stream.indirect.gather [hbm4b:s3+s5], $0x20, s17, s5, $0xb8;
	[tilespmem:$0x1D400] =	vst v63  }
0x325: {  	s25 =	sld [smem:$0x7D2];
	s26 =	simm.s32 $0xA400  }
0x326: {  	[tilespmem:s26], [sflag:$0x1] =	stream.indirect.gather [hbm4b:s3+s5], $0x20, s24, s5, $0xb8;
	[tilespmem:$0x1D400] =	vst v63  }
0x327: {  	s15 =	sld [smem:$0x7D3];
	s24 =	simm.s32 $0xB400  }
0x328: {  	[tilespmem:s24], [sflag:$0x1] =	stream.indirect.gather [hbm4b:s3+s5], $0x20, s25, s5, $0xb8;
	[tilespmem:$0x1D400] =	vst v63  }
0x329: {  	s26 =	simm.s32 $0xC400;
	s25 =	sld [smem:$0x7D4]  }
0x32a: {  	[tilespmem:s26], [sflag:$0x1] =	stream.indirect.gather [hbm4b:s3+s5], $0x20, s15, s5, $0xb8;
	[tilespmem:$0x1D400] =	vst v63  }
0x32b: {  	s24 =	sld [smem:$0x7D5]  }
0x32c: {  	[tilespmem:s12], [sflag:$0x1] =	stream.indirect.gather [hbm4b:s3+s5], $0x20, s25, s5, $0xb8;
	[tilespmem:$0x1D400] =	vst v63  }
0x32d: {  	s25 =	sld [smem:$0x7D6]  }
0x32e: {  	[tilespmem:s31], [sflag:$0x1] =	stream.indirect.gather [hbm4b:s3+s5], $0x20, s24, s5, $0xb8;
	[tilespmem:$0x1D400] =	vst v63  }
0x32f: {  	_ = 	snop  }
0x330: {  	[tilespmem:s29], [sflag:$0x1] =	stream.indirect.gather [hbm4b:s3+s5], $0x20, s25, s5, $0xb8;
	[tilespmem:$0x1D400] =	vst v63  }
0x331: {  	_ =	swait.ge [sflag:s10], $0xD000  }
0x332: {  	[sflag:s10] =	ssyncset.done $0x0  }
0x333: {  	s17 =	rddreg [dreg:$0x6];
	[sflag:s10] =	ssyncadd.s32 $0xFFFF3000  }
0x334: {  	[hbm4b:s17+s2] =	stream.linear.scatter [tilespmem:s20], [sflag:$0x4], $0xD000, $0x38;
	[tilespmem:$0x1D400] =	vst v63  }
0x335: {  	_ =	swait.ge [sflag:s8], $0xD000  }
0x336: {  	s24 =	sld [smem:$0x7D7]  }
0x337: {  	[sflag:s8] =	ssyncset.done $0x0  }
0x338: {  	s25 =	sld [smem:$0x7D8];
	[sflag:s8] =	ssyncadd.s32 $0xFFFF3000  }
0x339: {  	[tilespmem:s20], [sflag:$0x2] =	stream.indirect.gather [hbm4b:s3+s5], $0x20, s24, s5, $0xb8;
	[tilespmem:$0x1D400] =	vst v63  }
0x33a: {  	s17 =	sld [smem:$0x7D9]  }
0x33b: {  	[tilespmem:s11], [sflag:$0x2] =	stream.indirect.gather [hbm4b:s3+s5], $0x20, s25, s5, $0xb8;
	[tilespmem:$0x1D400] =	vst v63  }
0x33c: {  	s24 =	sld [smem:$0x7DA];
	s25 =	simm.s32 $0x12400  }
0x33d: {  	[tilespmem:s25], [sflag:$0x2] =	stream.indirect.gather [hbm4b:s3+s5], $0x20, s17, s5, $0xb8;
	[tilespmem:$0x1D400] =	vst v63  }
0x33e: {  	s17 =	sld [smem:$0x7DB]  }
0x33f: {  	[tilespmem:s30], [sflag:$0x2] =	stream.indirect.gather [hbm4b:s3+s5], $0x20, s24, s5, $0xb8;
	[tilespmem:$0x1D400] =	vst v63  }
0x340: {  	s15 =	sld [smem:$0x7DC];
	s24 =	simm.s32 $0x14400  }
0x341: {  	[tilespmem:s24], [sflag:$0x2] =	stream.indirect.gather [hbm4b:s3+s5], $0x20, s17, s5, $0xb8;
	[tilespmem:$0x1D400] =	vst v63  }
0x342: {  	s13 =	sld [smem:$0x7DD]  }
0x343: {  	[tilespmem:s21], [sflag:$0x2] =	stream.indirect.gather [hbm4b:s3+s5], $0x20, s15, s5, $0xb8;
	[tilespmem:$0x1D400] =	vst v63  }
0x344: {  	s15 =	sld [smem:$0x7DE]  }
0x345: {  	[tilespmem:s19], [sflag:$0x2] =	stream.indirect.gather [hbm4b:s3+s5], $0x20, s13, s5, $0xb8;
	[tilespmem:$0x1D400] =	vst v63  }
0x346: {  	s21 =	sld [smem:$0x7DF]  }
0x347: {  	[tilespmem:s23], [sflag:$0x2] =	stream.indirect.gather [hbm4b:s3+s5], $0x20, s15, s5, $0xb8;
	[tilespmem:$0x1D400] =	vst v63  }
0x348: {  	s22 =	simm.s32 $0x18400;
	s15 =	sld [smem:$0x7E0]  }
0x349: {  	[tilespmem:s22], [sflag:$0x2] =	stream.indirect.gather [hbm4b:s3+s5], $0x20, s21, s5, $0xb8;
	[tilespmem:$0x1D400] =	vst v63  }
0x34a: {  	s13 =	sld [smem:$0x7E1];
	s23 =	simm.s32 $0x19400  }
0x34b: {  	[tilespmem:s23], [sflag:$0x2] =	stream.indirect.gather [hbm4b:s3+s5], $0x20, s15, s5, $0xb8;
	[tilespmem:$0x1D400] =	vst v63  }
0x34c: {  	s15 =	sld [smem:$0x7E2];
	s23 =	simm.s32 $0x1A400  }
0x34d: {  	[tilespmem:s23], [sflag:$0x2] =	stream.indirect.gather [hbm4b:s3+s5], $0x20, s13, s5, $0xb8;
	[tilespmem:$0x1D400] =	vst v63  }
0x34e: {  	s13 =	sld [smem:$0x7E3]  }
0x34f: {  	[tilespmem:s28], [sflag:$0x2] =	stream.indirect.gather [hbm4b:s3+s5], $0x20, s15, s5, $0xb8;
	[tilespmem:$0x1D400] =	vst v63  }
0x350: {  	s15 =	simm.s32 $0x1C400  }
0x351: {  	[tilespmem:s15], [sflag:$0x2] =	stream.indirect.gather [hbm4b:s3+s5], $0x20, s13, s5, $0xb8;
	[tilespmem:$0x1D400] =	vst v63  }
0x352: {  	_ =	swait.ge [sflag:s14], $0xD000  }
0x353: {  	[sflag:s14] =	ssyncset.done $0x0  }
0x354: {  	s15 =	rddreg [dreg:$0x7];
	[sflag:s14] =	ssyncadd.s32 $0xFFFF3000  }
0x355: {  	[hbm4b:s15+s2] =	stream.linear.scatter [tilespmem:s18], [sflag:$0x3], $0xD000, $0x38;
	[tilespmem:$0x1D400] =	vst v63  }
0x356: {  	_ =	swait.ge [sflag:s9], $0xD000  }
0x357: {  	s13 =	sld [smem:$0x7E4]  }
0x358: {  	[sflag:s9] =	ssyncset.done $0x0  }
0x359: {  	s15 =	sld [smem:$0x7E5];
	[sflag:s9] =	ssyncadd.s32 $0xFFFF3000  }
0x35a: {  	[tilespmem:s18], [sflag:$0x1] =	stream.indirect.gather [hbm4b:s3+s5], $0x20, s13, s5, $0xb8;
	[tilespmem:$0x1D400] =	vst v63  }
0x35b: {  	s16 =	simm.s32 $0x4400;
	s13 =	sld [smem:$0x7E6]  }
0x35c: {  	[tilespmem:s16], [sflag:$0x1] =	stream.indirect.gather [hbm4b:s3+s5], $0x20, s15, s5, $0xb8;
	[tilespmem:$0x1D400] =	vst v63  }
0x35d: {  	s0 =	simm.s32 $0x5400;
	s16 =	sld [smem:$0x7E7]  }
0x35e: {  	[tilespmem:s0], [sflag:$0x1] =	stream.indirect.gather [hbm4b:s3+s5], $0x20, s13, s5, $0xb8;
	[tilespmem:$0x1D400] =	vst v63  }
0x35f: {  	s1 =	simm.s32 $0x6400;
	s0 =	sld [smem:$0x7E8]  }
0x360: {  	[tilespmem:s1], [sflag:$0x1] =	stream.indirect.gather [hbm4b:s3+s5], $0x20, s16, s5, $0xb8;
	[tilespmem:$0x1D400] =	vst v63  }
0x361: {  	s4 =	simm.s32 $0x7400;
	s1 =	sld [smem:$0x7E9]  }
0x362: {  	[tilespmem:s4], [sflag:$0x1] =	stream.indirect.gather [hbm4b:s3+s5], $0x20, s0, s5, $0xb8;
	[tilespmem:$0x1D400] =	vst v63  }
0x363: {  	s6 =	simm.s32 $0x8400;
	s4 =	sld [smem:$0x7EA]  }
0x364: {  	[tilespmem:s6], [sflag:$0x1] =	stream.indirect.gather [hbm4b:s3+s5], $0x20, s1, s5, $0xb8;
	[tilespmem:$0x1D400] =	vst v63  }
0x365: {  	s7 =	simm.s32 $0x9400;
	s6 =	sld [smem:$0x7EB]  }
0x366: {  	[tilespmem:s7], [sflag:$0x1] =	stream.indirect.gather [hbm4b:s3+s5], $0x20, s4, s5, $0xb8;
	[tilespmem:$0x1D400] =	vst v63  }
0x367: {  	s16 =	simm.s32 $0xA400;
	s7 =	sld [smem:$0x7EC]  }
0x368: {  	[tilespmem:s16], [sflag:$0x1] =	stream.indirect.gather [hbm4b:s3+s5], $0x20, s6, s5, $0xb8;
	[tilespmem:$0x1D400] =	vst v63  }
0x369: {  	s1 =	sld [smem:$0x7ED];
	s4 =	simm.s32 $0xB400  }
0x36a: {  	[tilespmem:s4], [sflag:$0x1] =	stream.indirect.gather [hbm4b:s3+s5], $0x20, s7, s5, $0xb8;
	[tilespmem:$0x1D400] =	vst v63  }
0x36b: {  	s26 =	simm.s32 $0xC400;
	s6 =	sld [smem:$0x7EE]  }
0x36c: {  	[tilespmem:s26], [sflag:$0x1] =	stream.indirect.gather [hbm4b:s3+s5], $0x20, s1, s5, $0xb8;
	[tilespmem:$0x1D400] =	vst v63  }
0x36d: {  	s12 =	simm.s32 $0xD400;
	s7 =	sld [smem:$0x7EF]  }
0x36e: {  	[tilespmem:s12], [sflag:$0x1] =	stream.indirect.gather [hbm4b:s3+s5], $0x20, s6, s5, $0xb8;
	[tilespmem:$0x1D400] =	vst v63  }
0x36f: {  	s16 =	sld [smem:$0x7F0]  }
0x370: {  	[tilespmem:s31], [sflag:$0x1] =	stream.indirect.gather [hbm4b:s3+s5], $0x20, s7, s5, $0xb8;
	[tilespmem:$0x1D400] =	vst v63  }
0x371: {  	_ = 	snop  }
0x372: {  	[tilespmem:s29], [sflag:$0x1] =	stream.indirect.gather [hbm4b:s3+s5], $0x20, s16, s5, $0xb8;
	[tilespmem:$0x1D400] =	vst v63  }
0x373: {  	_ =	swait.ge [sflag:s10], $0xD000  }
0x374: {  	[sflag:s10] =	ssyncset.done $0x0  }
0x375: {  	s26 =	rddreg [dreg:$0x8];
	[sflag:s10] =	ssyncadd.s32 $0xFFFF3000  }
0x376: {  	[hbm4b:s26+s2] =	stream.linear.scatter [tilespmem:s20], [sflag:$0x4], $0xD000, $0x38;
	[tilespmem:$0x1D400] =	vst v63  }
0x377: {  	_ =	swait.ge [sflag:s8], $0xD000  }
0x378: {  	s29 =	sld [smem:$0x7F1]  }
0x379: {  	[sflag:s8] =	ssyncset.done $0x0  }
0x37a: {  	s4 =	sld [smem:$0x7F2];
	[sflag:s8] =	ssyncadd.s32 $0xFFFF3000  }
0x37b: {  	[tilespmem:s20], [sflag:$0x2] =	stream.indirect.gather [hbm4b:s3+s5], $0x20, s29, s5, $0xb8;
	[tilespmem:$0x1D400] =	vst v63  }
0x37c: {  	s11 =	simm.s32 $0x11400;
	s6 =	sld [smem:$0x7F3]  }
0x37d: {  	[tilespmem:s11], [sflag:$0x2] =	stream.indirect.gather [hbm4b:s3+s5], $0x20, s4, s5, $0xb8;
	[tilespmem:$0x1D400] =	vst v63  }
0x37e: {  	s25 =	simm.s32 $0x12400;
	s7 =	sld [smem:$0x7F4]  }
0x37f: {  	[tilespmem:s25], [sflag:$0x2] =	stream.indirect.gather [hbm4b:s3+s5], $0x20, s6, s5, $0xb8;
	[tilespmem:$0x1D400] =	vst v63  }
0x380: {  	s11 =	sld [smem:$0x7F5]  }
0x381: {  	[tilespmem:s30], [sflag:$0x2] =	stream.indirect.gather [hbm4b:s3+s5], $0x20, s7, s5, $0xb8;
	[tilespmem:$0x1D400] =	vst v63  }
0x382: {  	s24 =	simm.s32 $0x14400;
	s13 =	sld [smem:$0x7F6]  }
0x383: {  	[tilespmem:s24], [sflag:$0x2] =	stream.indirect.gather [hbm4b:s3+s5], $0x20, s11, s5, $0xb8;
	[tilespmem:$0x1D400] =	vst v63  }
0x384: {  	s17 =	simm.s32 $0x15400;
	s15 =	sld [smem:$0x7F7]  }
0x385: {  	[tilespmem:s17], [sflag:$0x2] =	stream.indirect.gather [hbm4b:s3+s5], $0x20, s13, s5, $0xb8;
	[tilespmem:$0x1D400] =	vst v63  }
0x386: {  	s19 =	simm.s32 $0x16400;
	s16 =	sld [smem:$0x7F8]  }
0x387: {  	[tilespmem:s19], [sflag:$0x2] =	stream.indirect.gather [hbm4b:s3+s5], $0x20, s15, s5, $0xb8;
	[tilespmem:$0x1D400] =	vst v63  }
0x388: {  	s31 =	simm.s32 $0x17400;
	s17 =	sld [smem:$0x7F9]  }
0x389: {  	[tilespmem:s31], [sflag:$0x2] =	stream.indirect.gather [hbm4b:s3+s5], $0x20, s16, s5, $0xb8;
	[tilespmem:$0x1D400] =	vst v63  }
0x38a: {  	s21 =	simm.s32 $0x18400;
	s19 =	sld [smem:$0x7FA]  }
0x38b: {  	[tilespmem:s21], [sflag:$0x2] =	stream.indirect.gather [hbm4b:s3+s5], $0x20, s17, s5, $0xb8;
	[tilespmem:$0x1D400] =	vst v63  }
0x38c: {  	s22 =	simm.s32 $0x19400;
	s24 =	sld [smem:$0x7FB]  }
0x38d: {  	[tilespmem:s22], [sflag:$0x2] =	stream.indirect.gather [hbm4b:s3+s5], $0x20, s19, s5, $0xb8;
	[tilespmem:$0x1D400] =	vst v63  }
0x38e: {  	s23 =	simm.s32 $0x1A400;
	s25 =	sld [smem:$0x7FC]  }
0x38f: {  	[tilespmem:s23], [sflag:$0x2] =	stream.indirect.gather [hbm4b:s3+s5], $0x20, s24, s5, $0xb8;
	[tilespmem:$0x1D400] =	vst v63  }
0x390: {  	s26 =	sld [smem:$0x7FD]  }
0x391: {  	[tilespmem:s28], [sflag:$0x2] =	stream.indirect.gather [hbm4b:s3+s5], $0x20, s25, s5, $0xb8;
	[tilespmem:$0x1D400] =	vst v63  }
0x392: {  	s28 =	simm.s32 $0x1C400  }
0x393: {  	[tilespmem:s28], [sflag:$0x2] =	stream.indirect.gather [hbm4b:s3+s5], $0x20, s26, s5, $0xb8;
	[tilespmem:$0x1D400] =	vst v63  }
0x394: {  	_ =	swait.ge [sflag:s14], $0xD000  }
0x395: {  	[sflag:s14] =	ssyncset.done $0x0  }
0x396: {  	s29 =	rddreg [dreg:$0x9];
	[sflag:s14] =	ssyncadd.s32 $0xFFFF3000  }
0x397: {  	[hbm4b:s29+s2] =	stream.linear.scatter [tilespmem:s18], [sflag:$0x3], $0xD000, $0x38;
	[tilespmem:$0x1D400] =	vst v63  }
0x398: {  	_ =	swait.ge [sflag:s10], $0xD000  }
0x399: {  	[sflag:s10] =	ssyncset.done $0x0  }
0x39a: {  	s30 =	rddreg [dreg:$0xa];
	[sflag:s10] =	ssyncadd.s32 $0xFFFF3000  }
0x39b: {  	[hbm4b:s30+s2] =	stream.linear.scatter [tilespmem:s20], [sflag:$0x4], $0xD000, $0x38;
	[tilespmem:$0x1D400] =	vst v63  }
0x39c: {  	_ =	swait.ge [sflag:s9], $0xD000  }
0x39d: {  	[sflag:s9] =	ssyncset.done $0x0  }
0x39e: {  	[sflag:s9] =	ssyncadd.s32 $0xFFFF3000  }
0x39f: {  	_ =	swait.ge [sflag:s8], $0xD000  }
0x3a0: {  	[sflag:s8] =	ssyncset.done $0x0  }
0x3a1: {  	[sflag:s8] =	ssyncadd.s32 $0xFFFF3000  }
0x3a2: {  	_ =	sfence.sel $0x180000  }
0x3a3: {  	[bflag:$0x0] =	sbarrier.arrive $0xFFFF  }
0x3a4: {  	_ =	strace $0x90000047  }
0x3a5: {  	s31 =	stileid.u32;
	[bflag:$0x2] =	sbarrier.arrive $0xFFFF  }
0x3a6: {  	p0 =	sne.s32 s31, $0x0;
	s0 =	rddreg [dreg:$0x2]  }
0x3a7: {  	s0 =	sadd.s32 @!p0 $0x100000, s0  }
0x3a8: {  	[sflag:s0] =	ssyncadd.tile.s32 @!p0 $0x1;
	_ =	shalt  }
.LBB2_1:
.Ltmp3:
0x3a9: {  	(pc) =	sbr.rel .LBB2_6-.Ltmp3, $2  }
0x3aa: {  	_ =	sdelay $0x2  }
0x3ab: {  	s16 =	sld [smem:$0x7AC]  }
.LBB2_3:
.Ltmp4:
0x3ac: {  	(pc) =	sbr.rel .LBB2_6-.Ltmp4, $4  }
0x3ad: {  	s16 =	sld [smem:$0x7AC];
	s25 =	simm.s32 $0xA400;
	s26 =	simm.s32 $0x12400  }
0x3ae: {  	s28 =	simm.s32 $0x1A400;
	s29 =	simm.s32 $0xB400;
	s1 =	simm.s32 $0x19400  }
0x3af: {  	s31 =	simm.s32 $0xC400;
	s0 =	simm.s32 $0x18400;
	s6 =	simm.s32 $0x14400  }
0x3b0: {  	s23 =	simm.s32 $0x17400;
	s7 =	simm.s32 $0x3400;
	s30 =	simm.s32 $0x10400  }
.Lfunc_end2:
_tile_overlayer_lowered:
.L_overlay_start_2:
0x3b1: {  	(tag) =	ssettag $0x2  }
0x3b2: {  	s0 =	rddreg [dreg:$0x0];
	s2 =	stileid.u32  }
0x3b3: {  	s1 =	rddreg [dreg:$0x1];
	p0 =	sne.s32 s2, $0x0  }
0x3b4: {  	s3 =	rddreg [dreg:$0x2];
	[bflag:$0x3] =	sbarrier.arrive $0xFFFF;
	s2 =	simm.s32 @!p0 $0x1C05  }
0x3b5: {  	[timem:s3], [sflag:s2] =	dma.local @!p0 [hbm:s0], s1  }
0x3b6: {  	s0 =	simm.s32 @!p0 $0x5  }
0x3b7: {  	_ =	swait.ge @!p0 [sflag:s0], s1  }
0x3b8: {  	s1 =	ssub.s32 @!p0 $0x0, s1;
	[sflag:s0] =	ssyncset.done @!p0 $0x0  }
0x3b9: {  	[sflag:s0] =	ssyncadd.s32 @!p0 s1  }
0x3ba: {  	[bflag:$0x3] =	sbarrier.arrive $0xFFFF  }
0x3bb: {  	_ =	shalt  }

// kernel: sparse-core-data-format-call.cloned.1.call-start
scs
called_computation_lowered:
.L_overlay_start_0:
0x0: {  	s2 =	sld [smem:$0x3FD9]  }
0x1: {  	s3 =	sld [smem:$0x3FFE];
	_ =	sdelay $0x1  }
0x2: {  	s1 =	srdreg.scid  }
0x3: {  	s0 =	sand.u32 $0x1, s1  }
0x4: {  	s18 =	sshll.u32 s0, $0xA;
	s2 =	sadd.s32 s3, s2  }
0x5: {  	s2 =	sadd.s32 s2, s18  }
0x6: {  	[smem:$0x3FC6] =	sst s2  }
0x7: {  	_ = 	snop  }
0x8: {  	s2 =	sld [smem:$0x3FD0];
	(tm) =	ssettm $0x1  }
0x9: {  	s19 =	sld [smem:$0x3FFB];
	_ =	sdelay $0x3  }
0xa: {  	_ =	strace s19  }
0xb: {  	s3 =	sld [smem:$0x3FFC];
	_ =	sdelay $0x3  }
0xc: {  	_ =	strace s3  }
0xd: {  	s3 =	sld [smem:$0x3FFD];
	_ =	sdelay $0x3  }
0xe: {  	_ =	strace s3  }
0xf: {  	_ =	strace $0x8FFFFFFF  }
0x10: {  	s20 =	sld [smem:$0x3FDB];
	_ =	sdelay $0x1  }
0x11: {  	s4 =	simm.s32 $_scs_section_size  }
0x12: {  	s5 =	simm.s32 $_size__tile_overlayer_lowered;
	s6 =	simm.s32 $_tile_overlayer_lowered  }
0x13: {  	s23 =	simm.s32 $0x1BFF;
	s22 =	sshll.u32 s6, $0x1;
	s3 =	sadd.s32 s4, s20  }
0x14: {  	s7 =	simm.s32 $0x0;
	s21 =	sshll.u32 s5, $0x1;
	s5 =	sadd.s32 s22, s3  }
0x15: {  	[timem:s7], [sflag:s23] =	dma.local [hbm:s5], s21  }
0x16: {  	_ =	swait.ge [sflag:s23], s21  }
0x17: {  	s4 =	ssub.s32 $0x0, s21;
	[sflag:s23] =	ssyncset.done $0x0  }
0x18: {  	[sflag:s23] =	ssyncadd.s32 s4;
	_ =	sdelay $0x1  }
0x19: {  	s24 =	simm.s32 $0x1B8B  }
0x1a: {  	_ =	swait.ge [sflag:s24], $0x1  }
0x1b: {  	[sflag:s24] =	ssyncset.done $0x0  }
0x1c: {  	s26 =	simm.s32 $0x1B8E;
	s25 =	sld [smem:$0x3FFE];
	[sflag:s24] =	ssyncadd.s32 $0xFFFFFFFF  }
0x1d: {  	s27 =	simm.s32 $execute0_lowered;
	[smem:$0x3FD2] =	sst s26  }
0x1e: {  	s5 =	sshll.u32 s27, $0x1;
	_ =	strace $0x80000049;
	[dreg:$0x1] =	wrdreg $0xFFFFFFFF  }
0x1f: {  	s28 =	simm.s32 $_size_execute0_lowered;
	s3 =	sadd.s32 s3, s5;
	[dreg:$0x0] =	wrdreg $0x0  }
0x20: {  	s5 =	sshll.u32 s28, $0x1;
	[dreg:$0x2] =	wrdreg s3  }
0x21: {  	[dreg:$0x3] =	wrdreg s5  }
0x22: {  	[dreg:$0x4] =	wrdreg $0xC0  }
0x23: {  	_ =	task [dreg:s7], $0x5FFFF  }
0x24: {  	[dreg:$0x1] =	wrdreg $0xFFFFFFFF  }
0x25: {  	[dreg:$0x0] =	wrdreg $0x60  }
0x26: {  	[dreg:$0x2] =	wrdreg s25  }
0x27: {  	[dreg:$0x3] =	wrdreg s2  }
0x28: {  	[dreg:$0x4] =	wrdreg $0x9  }
0x29: {  	_ =	task.clear_ibuf [dreg:s7], $0x5FFFF;
	_ =	strace $0x90000049  }
0x2a: {  	s29 =	simm.s32 $0x9;
	_ =	strace $0x8000004B  }
0x2b: {  	_ =	swait.ge [sflag:s29], $0x1  }
0x2c: {  	[sflag:s29] =	ssyncadd.s32 $0xFFFFFFFF  }
0x2d: {  	_ =	strace $0x9000004B  }
0x2e: {  	_ =	sfence  }
0x2f: {  	s30 =	sld [smem:$0x0];
	_ =	sdelay $0x2  }
0x30: {  	s31 =	sshll.u32 s1, $0xD;
	s1 =	sshrl.u32 s1, $0x2  }
0x31: {  	s3 =	sand.u32 $0x4000, s31;
	s1 =	sadd.s32 s1, s30  }
0x32: {  	s0 =	sor.u32 s3, s0;
	s1 =	sshll.u32 s1, $0x11  }
0x33: {  	s0 =	sor.u32 s1, s0  }
0x34: {  	s0 =	sadd.s32 $0x8F2B, s0  }
0x35: {  	[sflag:s0] =	ssyncadd.remote.s32 $0x1  }
0x36: {  	_ =	sfence.sel $0xFFFF  }
0x37: {  	[dreg:$0x0] =	wrdreg $0xFFFFFFFF;
	(pc) =	sbr.abs _section_cstart, $3  }
0x38: {  	[dreg:$0x1] =	wrdreg $0xFFFFFFFF  }
0x39: {  	_ =	task.clear_ibuf [dreg:s7], $0x2FFFF;
	_ =	strace $0x9FFFFFFF  }
0x3a: {  	(tm) =	ssettm $0x7FFFFFFF  }
0x3b: {  	_ =	shalt  }
tec
execute0_lowered:
.L_overlay_start_1:
0x0: {  	(tag) =	ssettag $0x1  }
0x1: {  	s0 =	srdreg.scid  }
0x2: {  	s1 =	sshll.u32 s0, $0x4  }
0x3: {  	s6 =	rddreg [dreg:$0x0];
	s0 =	stileid.u32;
	s1 =	sand.u32 $0x10, s1  }
0x4: {  	s3 =	rddreg [dreg:$0x1];
	s1 =	sor.u32 s0, s1  }
0x5: {  	s5 =	simm.s32 $0x1;
	s31 =	simm.s32 $0x2;
	s2 =	sshll.u32 s1, $0x7  }
0x6: {  	s15 =	simm.s32 $0x0;
	s8 =	simm.s32 $0x20000;
	s4 =	ssub.s32 $0x4000, s2  }
0x7: {  	s14 =	simm.s32 $0x0;
	s9 =	simm.s32 $0x0;
	s30 =	sand.u32 $0xF80, s4  }
0x8: {  	s10 =	simm.s32 $0x0;
	s11 =	simm.s32 $0x0;
	p0 =	sne.s32 s30, $0x0  }
.Ltmp0:
0x9: {  	s7 =	sshrl.u32 s4, $0xC;
	s5 =	simm.s32 @!p0 $0x0;
	(pc) =	sbr.rel .LBB1_1-.Ltmp0, $4  }
0xa: {  	s13 =	simm.s32 $0x0;
	s1 =	rddreg [dreg:$0x2];
	s5 =	sadd.s32 s5, s7  }
0xb: {  	_ =	strace $0x8000004A;
	s4 =	simm.s32 $0x1;
	s5 =	smul.u32 $0x7, s5  }
0xc: {  	s6 =	sadd.s32 $0xC00, s6;
	s12 =	smov.u32 s2;
	[sflag:s4] =	ssyncpa.u1 $0x0  }
0xd: {  	[sflag:s31] =	ssyncpa.u1 $0x0;
	p0 =	por $0x0, $0x0;
	s7 =	sadd.s32 $0x1, s5  }
.LBB1_4:
0xe: {  	s20 =	sshra.s32 s20, $0x2  }
0xf: {  	s28 =	sand.u32 $0x78, s10;
	s21 =	sshll.u32 s9, $0xE;
	s22 =	sshll.u32 s10, $0x3  }
0x10: {  	s24 =	sshll.u32 s9, $0x7;
	p1 =	sgt.s32 s9, $0x2C0;
	s30 =	sshra.s32 s9, $0x1F  }
0x11: {  	s26 =	sshra.s32 s10, $0x1F;
	s19 =	sadd.s32 s20, s19;
	s21 =	sand.u32 $0xFFFE0000, s21  }
0x12: {  	v5 =	vld [tilespmem:s17+$0xFFFFFFD0];
	[tilespmem:s18+$0x2040 ss:$0x81] =	vst.msk $0xffff, v4;
	s23 =	sand.u32 $0xFFFFFC00, s22;
	s29 =	sand.u32 $0x380, s24;
	s22 =	sand.u32 $0x3C00, s22  }
0x13: {  	v58 =	vld [tilespmem:s17+$0xFFFFFFE0];
	[tilespmem:s18+$0x2850 ss:$0x81] =	vst.msk $0xffff, v3;
	s21 =	sadd.s32 s23, s21;
	s20 =	sor.u32 s28, s22;
	s22 =	smov.u32 s9  }
0x14: {  	v59 =	vld [tilespmem:s17+$0xFFFFFFF0];
	[tilespmem:s18+$0x3060 ss:$0x81] =	vst.msk $0xffff, v2;
	s24 =	sand.u32 s30, s9;
	s21 =	sshrl.u32 s21, $0xE;
	s22 =	simm.s32 @!p1 $0x2C0  }
0x15: {  	v60 =	vld [tilespmem:s17+$0x0];
	[tilespmem:s18+$0x0 ss:$0x81] =	vst.msk $0xffff, v1;
	p1 =	sgt.s32 s10, $0x3F80;
	s31 =	ssub.s32 s22, s24;
	s22 =	smov.u32 s10  }
0x16: {  	v61 =	vld [tilespmem:s17+$0x10];
	[tilespmem:s19+$0x3870 ss:$0x81] =	vst.msk $0xffff, v0;
	s25 =	smulhi.u32 $0x4EC4ED, s21;
	s24 =	sand.u32 s26, s10;
	s22 =	simm.s32 @!p1 $0x3F80  }
0x17: {  	v62 =	vld [tilespmem:s17+$0x20];
	s20 =	sor.u32 s29, s20;
	[tilespmem:s19+$0x810 ss:$0x81] =	vst.msk $0xffff, v5;
	s27 =	sadd.s32 $0xFFFFFD40, s31;
	s22 =	ssub.s32 s22, s24  }
0x18: {  	v63 =	vld [tilespmem:s17+$0xFFFFFFC0];
	[tilespmem:s19+$0x1020 ss:$0x81] =	vst.msk $0xffff, v58;
	s18 =	ssub.s32 $0x340, s31;
	s28 =	smul.u32 $0x340, s25;
	s29 =	sadd.s32 $0xFFFFC080, s22  }
0x19: {  	[tilespmem:s19+$0x1830 ss:$0x81] =	vst.msk $0xffff, v59;
	p1 =	sgt.s32 s27, $0x7F;
	s22 =	ssub.s32 $0x4000, s22;
	p2 =	sgt.s32 s29, $0x7F  }
0x1a: {  	s30 =	sand.u32 $0x7, s10;
	[tilespmem:s19+$0x2040 ss:$0x81] =	vst.msk $0xffff, v60;
	s18 =	simm.s32 @p1 $0x0;
	s22 =	simm.s32 @p2 $0x0  }
0x1b: {  	s20 =	sshrl.u32 s20, $0x3;
	[tilespmem:s19+$0x2850 ss:$0x81] =	vst.msk $0xffff, v61;
	s17 =	ssub.s32 s21, s28;
	s18 =	smul.u32 s22, s18  }
0x1c: {  	[tilespmem:s19+$0x3060 ss:$0x81] =	vst.msk $0xffff, v62;
	s20 =	sadd.s32 s3, s20;
	s21 =	sshll.u32 s30, $0x12;
	s17 =	sshll.u32 s17, $0xB  }
0x1d: {  	[tilespmem:s19+$0x0 ss:$0x81] =	vst.msk $0xffff, v63;
	s31 =	sor.u32 $0x400, s21;
	s17 =	sadd.s32 s17, s20;
	s18 =	sand.u32 $0x3FFFFFFF, s18  }
0x1e: {  	[hbm4b:s17+s31] =	stream.strided.scatter [tilespmem:s16], [sflag:$0x2], s18, s8, s31, $0x20;
	[tilespmem:$0x10100] =	vst v63  }
.LBB1_5:
0x1f: {  	p1 =	slt.u32 s13, $0x2  }
0x20: {  	s17 =	smov.u32 s15;
	p2 =	sgt.s32 @!p1 s15, $0x2C0;
	s16 =	sshra.s32 @!p1 s15, $0x1F  }
0x21: {  	p3 =	sgt.s32 @!p1 s14, $0x3F80;
	s18 =	sshra.s32 @!p1 s14, $0x1F;
	p2 =	por !p2, p1  }
0x22: {  	s15 =	sand.u32 @!p1 s16, s15;
	p3 =	por !p3, p1;
	s16 =	smov.u32 s14  }
0x23: {  	s14 =	sand.u32 @!p1 s18, s14;
	s17 =	simm.s32 @p2 $0x2C0;
	s16 =	simm.s32 @p3 $0x3F80  }
0x24: {  	s15 =	ssub.s32 @!p1 s17, s15;
	s14 =	ssub.s32 @!p1 s16, s14  }
0x25: {  	s18 =	smov.u32 s12;
	s16 =	sadd.s32 @!p1 $0xFFFFFD40, s15;
	s17 =	sadd.s32 @!p1 $0xFFFFC080, s14  }
0x26: {  	s15 =	ssub.s32 @!p1 $0x340, s15;
	p2 =	sgt.s32 @!p1 s16, $0x7F;
	p3 =	sgt.s32 @!p1 s17, $0x7F  }
0x27: {  	s14 =	ssub.s32 @!p1 $0x4000, s14;
	p2 =	por !p2, p1;
	p3 =	por !p3, p1  }
0x28: {  	s16 =	sadd.s32 $0x80, s11;
	s15 =	simm.s32 @!p2 $0x0;
	s14 =	simm.s32 @!p3 $0x0  }
0x29: {  	p2 =	sgt.s32 s16, $0x33F;
	s14 =	smul.u32 @!p1 s14, s15;
	s15 =	sadd.s32 $0x1000, s12  }
0x2a: {  	s18 =	smov.u32 @p2 s15  }
0x2b: {  	s16 =	simm.s32 @p2 $0x0;
	p2 =	sgt.s32 s18, $0x3FFF  }
0x2c: {  	s18 =	smov.u32 @p2 s2;
	p2 =	sne.s32 s13, s7  }
.Ltmp1:
0x2d: {  	p0 =	por !p0, !p0;
	s17 =	simm.s32 @!p1 $0x2;
	(pc) =	sbr.rel @!p2 .LBB1_6-.Ltmp1, $4  }
0x2e: {  	s15 =	smov.u32 s9;
	s9 =	smov.u32 s11;
	s14 =	sand.u32 @!p1 $0x3FFFFFFF, s14  }
0x2f: {  	s11 =	smov.u32 s16;
	_ =	swait.ge @!p1 [sflag:s17], s14;
	s19 =	ssub.s32 @!p1 $0x0, s14  }
0x30: {  	s14 =	smov.u32 s10;
	s13 =	sadd.s32 $0x1, s13;
	[sflag:s17] =	ssyncset.done @!p1 $0x0  }
0x31: {  	s10 =	smov.u32 s12;
	s12 =	smov.u32 s18;
	[sflag:s17] =	ssyncadd.s32 @!p1 s19  }
.LBB1_1:
0x32: {  	p1 =	sge.u32 s13, s5  }
0x33: {  	s16 =	sshrl.u32 @!p1 s12, $0x3  }
0x34: {  	s17 =	sshll.u32 @!p1 s11, $0x3;
	s16 =	smul.u32 @!p1 $0x1C00, s16  }
0x35: {  	s18 =	sshll.u32 @!p1 s12, $0x7;
	s17 =	sand.u32 @!p1 $0xFFFFFC00, s17  }
0x36: {  	s16 =	sadd.s32 @!p1 s16, s17;
	s17 =	sand.u32 @!p1 $0x380, s18  }
0x37: {  	s16 =	sor.u32 @!p1 s17, s16  }
0x38: {  	s17 =	sshrl.u32 @!p1 s16, $0x7  }
0x39: {  	s17 =	smulhi.u32 @!p1 $0x24924925, s17;
	_ =	sdelay $0x1  }
0x3a: {  	s18 =	sand.u32 @!p1 $0x7F, s11;
	s19 =	smul.u32 @!p1 $0x380, s17  }
0x3b: {  	s31 =	sadd.s32 $0xFFFFFFFF, s13;
	s16 =	sor.u32 @!p1 s18, s16;
	s18 =	sxor.u32 @!p1 $0xFFFFFFFF, s13  }
0x3c: {  	s18 =	sshll.u32 @!p1 s18, $0xE;
	s17 =	sand.u32 @!p1 $0x3FFF, s17;
	s16 =	ssub.s32 @!p1 s16, s19  }
0x3d: {  	s17 =	smul.u32 @!p1 $0x70, s17;
	s19 =	sshrl.u32 @!p1 s16, $0x3;
	s16 =	sand.u32 @!p1 $0x7, s16  }
0x3e: {  	s18 =	sand.u32 @!p1 $0x4000, s18;
	s19 =	sadd.s32 @!p1 s6, s19;
	s16 =	sshll.u32 @!p1 s16, $0x12  }
0x3f: {  	s17 =	sadd.s32 @!p1 s17, s19;
	s16 =	sor.u32 @!p1 $0x400, s16;
	s19 =	simm.s32 @!p1 $0x1C00  }
0x40: {  	[tilespmem:s18], [sflag:$0x1] =	stream.strided.gather @!p1 [hbm4b:s17+s16], $0x4000, s19, s16, $0x38;
	[tilespmem:$0x10100] =	vst v63  }
0x41: {  	p1 =	sge.u32 s31, s5  }
.Ltmp2:
0x42: {  	_ = 	snop;
	(pc) =	sbr.rel @p1 .LBB1_5-.Ltmp2, $1  }
0x43: {  	_ =	sdelay $0x3  }
0x44: {  	s16 =	simm.s32 $0x1  }
0x45: {  	_ =	swait.ge [sflag:s4], $0x4000;
	s16 =	simm.s32 @!p0 $0x0  }
0x46: {  	[sflag:s4] =	ssyncset.done $0x0;
	s17 =	sshll.u32 s16, $0xE  }
0x47: {  	[sflag:s4] =	ssyncadd.s32 $0xFFFFC000;
	s17 =	sor.u32 $0x40, s17  }
0x48: {  	s16 =	smul.u32 $0x10200, s16;
	v0 =	vld [tilespmem:s17+$0x30]  }
0x49: {  	v1 =	vld [tilespmem:s17+$0xFFFFFFD0]  }
0x4a: {  	s16 =	sshrl.u32 s16, $0x2;
	v5 =	vld [tilespmem:s17+$0xFFFFFFE0]  }
0x4b: {  	v6 =	vld [tilespmem:s17+$0xFFFFFFF0];
	s19 =	sor.u32 $0x8000, s16  }
0x4c: {  	s31 =	sand.u32 $0x1, s13;
	v4 =	vld [tilespmem:s17+$0x0];
	s18 =	sadd.s32 $0x0, s19  }
0x4d: {  	v3 =	vld [tilespmem:s17+$0x10];
	s16 =	smul.u32 $0x10200, s31;
	[tilespmem:s18+$0x3870 ss:$0x81] =	vst.msk $0xffff, v0  }
0x4e: {  	v2 =	vld [tilespmem:s17+$0x20];
	[tilespmem:s18+$0x810 ss:$0x81] =	vst.msk $0xffff, v1  }
0x4f: {  	s16 =	sshrl.u32 s16, $0x2;
	v1 =	vld [tilespmem:s17+$0xFFFFFFC0];
	[tilespmem:s18+$0x1020 ss:$0x81] =	vst.msk $0xffff, v5;
	s17 =	sadd.s32 $0x80, s17  }
0x50: {  	s20 =	simm.s32 $0x4;
	s21 =	simm.s32 $0x8;
	s16 =	sor.u32 $0x8000, s16;
	[tilespmem:s18+$0x1830 ss:$0x81] =	vst.msk $0xffff, v6;
	v0 =	vld [tilespmem:s17+$0x30]  }
.LBB1_3:
0x51: {  	p1 =	sne.s32 s21, $0x1FC;
	v5 =	vld [tilespmem:s17+$0xFFFFFFD0];
	[tilespmem:s18+$0x2040 ss:$0x81] =	vst.msk $0xffff, v4  }
0x52: {  	v6 =	vld [tilespmem:s17+$0xFFFFFFE0];
	[tilespmem:s18+$0x2850 ss:$0x81] =	vst.msk $0xffff, v3  }
0x53: {  	s22 =	sshra.s32 s20, $0x2;
	s20 =	smov.u32 s21;
	v7 =	vld [tilespmem:s17+$0xFFFFFFF0];
	[tilespmem:s18+$0x3060 ss:$0x81] =	vst.msk $0xffff, v2  }
.Ltmp3:
0x54: {  	v4 =	vld [tilespmem:s17+$0x0];
	[tilespmem:s18+$0x0 ss:$0x81] =	vst.msk $0xffff, v1;
	s18 =	sadd.s32 s22, s19;
	(pc) =	sbr.rel @p1 .LBB1_3-.Ltmp3, $4  }
0x55: {  	v3 =	vld [tilespmem:s17+$0x10];
	[tilespmem:s18+$0x3870 ss:$0x81] =	vst.msk $0xffff, v0  }
0x56: {  	[tilespmem:s18+$0x810 ss:$0x81] =	vst.msk $0xffff, v5;
	v2 =	vld [tilespmem:s17+$0x20]  }
0x57: {  	v1 =	vld [tilespmem:s17+$0xFFFFFFC0];
	[tilespmem:s18+$0x1020 ss:$0x81] =	vst.msk $0xffff, v6;
	s17 =	sadd.s32 $0x80, s17  }
0x58: {  	s21 =	sadd.s32 $0x4, s21;
	v0 =	vld [tilespmem:s17+$0x30];
	[tilespmem:s18+$0x1830 ss:$0x81] =	vst.msk $0xffff, v7  }
.Ltmp4:
0x59: {  	_ = 	snop;
	(pc) =	sbr.rel .LBB1_4-.Ltmp4, $1  }
0x5a: {  	_ =	sdelay $0x3  }
.LBB1_6:
0x5b: {  	_ =	sfence.sel $0x180000  }
0x5c: {  	s2 =	simm.s32 $0x1;
	[bflag:$0x0] =	sbarrier.arrive $0xFFFF  }
0x5d: {  	s31 =	simm.s32 $0x2;
	[sflag:s2] =	ssyncpa.u1 $0x1  }
0x5e: {  	[sflag:s31] =	ssyncpa.u1 $0x1  }
0x5f: {  	p0 =	sne.s32 s0, $0x0;
	_ =	strace $0x9000004A  }
0x60: {  	s0 =	sadd.s32 @!p0 $0x100000, s1;
	[bflag:$0x2] =	sbarrier.arrive $0xFFFF  }
0x61: {  	[sflag:s0] =	ssyncadd.tile.s32 @!p0 $0x1;
	_ =	shalt  }
.Lfunc_end1:
_tile_overlayer_lowered:
.L_overlay_start_2:
0x62: {  	(tag) =	ssettag $0x2  }
0x63: {  	s0 =	rddreg [dreg:$0x0];
	s2 =	stileid.u32  }
0x64: {  	s1 =	rddreg [dreg:$0x1];
	p0 =	sne.s32 s2, $0x0  }
0x65: {  	s3 =	rddreg [dreg:$0x2];
	[bflag:$0x3] =	sbarrier.arrive $0xFFFF;
	s2 =	simm.s32 @!p0 $0x1C01  }
0x66: {  	[timem:s3], [sflag:s2] =	dma.local @!p0 [hbm:s0], s1  }
0x67: {  	s0 =	simm.s32 @!p0 $0x1  }
0x68: {  	_ =	swait.ge @!p0 [sflag:s0], s1  }
0x69: {  	s1 =	ssub.s32 @!p0 $0x0, s1;
	[sflag:s0] =	ssyncset.done @!p0 $0x0  }
0x6a: {  	[sflag:s0] =	ssyncadd.s32 @!p0 s1  }
0x6b: {  	[bflag:$0x3] =	sbarrier.arrive $0xFFFF  }
0x6c: {  	_ =	shalt  }

</sc_bundles>
